<compile_context>
chip_gen: v7x
topology: tpu7x:2x2x1
jax: 0.10.2.dev20260603
libtpu: 0.0.44.dev20260713+nightly
codegen_flags: <defaults>
</compile_context>

<pallas_src>
import functools

import jax
import jax.numpy as jnp
from jax import lax
from jax.experimental import pallas as pl
from jax.experimental.pallas import tpu as pltpu
from jax.experimental.pallas import tpu_sc as plsc

NUM_CORES = 2
NUM_SUBCORES = 16
LANES = 16
NW = NUM_CORES * NUM_SUBCORES

BATCH = 16384
LATENT = 32
B_PER_W = BATCH // NW
N_CHUNK = B_PER_W // 128
N_GROUP = B_PER_W // LANES


def _gmf_sc_body(uidx_hbm, iidx_hbm, utab_hbm, itab_hbm, w_hbm, b_hbm, out_hbm,
                 uidx_v, iidx_v, urows_v, irows_v, w_v, b_v, out_v, sem):
    wid = lax.axis_index("s") * NUM_CORES + lax.axis_index("c")

    pltpu.sync_copy(uidx_hbm.at[wid], uidx_v)
    pltpu.sync_copy(iidx_hbm.at[wid], iidx_v)
    pltpu.sync_copy(w_hbm, w_v)
    pltpu.sync_copy(b_hbm, b_v)

    copies = []
    for j in range(N_CHUNK):
        dst = urows_v.at[pl.ds(j * 128, 128)]
        copies.append(pltpu.async_copy(utab_hbm.at[uidx_v.at[j]], dst, sem))
        dst = irows_v.at[pl.ds(j * 128, 128)]
        copies.append(pltpu.async_copy(itab_hbm.at[iidx_v.at[j]], dst, sem))
    for c in copies:
        c.wait()

    w_lo = w_v[pl.ds(0, LANES)]
    w_hi = w_v[pl.ds(LANES, LANES)]
    b_vec = b_v[...]
    lane_iota = lax.broadcasted_iota(jnp.int32, (LANES,), 0)

    def group_body(g, _):
        rows = lane_iota + g * LANES
        acc = jnp.zeros((LANES,), jnp.float32)
        for d in range(LATENT):
            cols = jnp.full((LANES,), d, jnp.int32)
            ug = plsc.load_gather(urows_v, [rows, cols])
            ig = plsc.load_gather(irows_v, [rows, cols])
            w_src = w_lo if d < LANES else w_hi
            w_d = w_src.at[jnp.full((LANES,), d % LANES, jnp.int32)].get(
                mode="promise_in_bounds")
            acc = acc + ug * ig * w_d
        logits = acc + b_vec
        out_v[pl.ds(g * LANES, LANES)] = 1.0 / (1.0 + jnp.exp(-logits))
        return _

    lax.fori_loop(0, N_GROUP, group_body, None)

    pltpu.sync_copy(out_v, out_hbm.at[pl.ds(wid * B_PER_W, B_PER_W)])


@functools.cache
def _build_gmf_sc():
    return pl.kernel(
        _gmf_sc_body,
        out_type=jax.ShapeDtypeStruct((BATCH,), jnp.float32),
        mesh=plsc.VectorSubcoreMesh(core_axis_name="c", subcore_axis_name="s"),
        scratch_types=[
            pltpu.VMEM((N_CHUNK, 128), jnp.int32),
            pltpu.VMEM((N_CHUNK, 128), jnp.int32),
            pltpu.VMEM((B_PER_W, LATENT), jnp.float32),
            pltpu.VMEM((B_PER_W, LATENT), jnp.float32),
            pltpu.VMEM((LATENT,), jnp.float32),
            pltpu.VMEM((LANES,), jnp.float32),
            pltpu.VMEM((B_PER_W,), jnp.float32),
            pltpu.SemaphoreType.DMA,
        ],
        compiler_params=pltpu.CompilerParams(
            needs_layout_passes=False, use_tc_tiling_on_sc=False),
    )


def kernel(user_indices, item_indices, emb_user_gmf, emb_item_gmf, W_aff, b_aff):
    uidx = user_indices.astype(jnp.int32).reshape(NW, N_CHUNK, 128)
    iidx = item_indices.astype(jnp.int32).reshape(NW, N_CHUNK, 128)
    w_vec = W_aff.reshape(LATENT)
    b_vec = jnp.broadcast_to(b_aff, (LANES,))
    out = _build_gmf_sc()(uidx, iidx, emb_user_gmf, emb_item_gmf, w_vec, b_vec)
    return out.reshape(BATCH, 1)

# --- scband reference (transcript-rebuilt; emitter-appended) ---
"""Pipeline reference for scband-gmf-26654567039310 (READ-ONLY COPY).

The authoritative reference and input builder live on the scoring server;
editing this copy changes nothing except your own understanding.
"""

import jax, jax.numpy as jnp
import numpy as np

NUM_USERS = 1000000
LATENT = 32
BATCH = 16384

def setup_inputs(seed: int = 0) -> dict:
    key = jax.random.key(seed)
    k1, k2, k3, k4, k5, k6 = jax.random.split(key, 6)
    user_indices = jax.random.randint(k1, (BATCH,), 0, NUM_USERS, dtype=jnp.int64) if jax.config.jax_enable_x64 else jax.random.randint(k1, (BATCH,), 0, NUM_USERS, dtype=jnp.int32)
    item_indices = jax.random.randint(k2, (BATCH,), 0, NUM_USERS, dtype=jnp.int32)
    # embedding tables (GMF) - note: torch code sizes item table by num_users too
    emb_user_gmf = jax.random.normal(k3, (NUM_USERS, LATENT), dtype=jnp.float32)
    emb_item_gmf = jax.random.normal(k4, (NUM_USERS, LATENT), dtype=jnp.float32)
    # affine output layer: Linear(LATENT -> 1)
    bound = 1.0 / np.sqrt(LATENT)
    W_aff = jax.random.uniform(k5, (1, LATENT), minval=-bound, maxval=bound, dtype=jnp.float32)
    b_aff = jax.random.uniform(k6, (1,), minval=-bound, maxval=bound, dtype=jnp.float32)
    return {
        "user_indices": user_indices,
        "item_indices": item_indices,
        "emb_user_gmf": emb_user_gmf,
        "emb_item_gmf": emb_item_gmf,
        "W_aff": W_aff,
        "b_aff": b_aff,
    }

def reference(user_indices, item_indices, emb_user_gmf, emb_item_gmf, W_aff, b_aff):
    user_embedding = jnp.take(emb_user_gmf, user_indices, axis=0)
    item_embedding = jnp.take(emb_item_gmf, item_indices, axis=0)
    element_product = user_embedding * item_embedding
    logits = element_product @ W_aff.T + b_aff
    rating = jax.nn.sigmoid(logits)
    return rating

if __name__ == "__main__":
    import jax
    _d = setup_inputs()
    print(jax.jit(kernel)(*tuple(_d.values())))

</pallas_src>

<mosaic_0001>
#map = affine_map<(d0, d1) -> (0, 0, 0)>
#map1 = affine_map<(d0, d1) -> (0, 0)>
#map2 = affine_map<(d0, d1) -> (0)>
module attributes {stable_mosaic.version = 14 : i64} {
  func.func @_gmf_sc_body(%arg0: i32, %arg1: i32, %arg2: memref<32x4x128xi32, #tpu.memory_space<hbm>>, %arg3: memref<32x4x128xi32, #tpu.memory_space<hbm>>, %arg4: memref<1000000x32xf32, #tpu.memory_space<hbm>>, %arg5: memref<1000000x32xf32, #tpu.memory_space<hbm>>, %arg6: memref<32xf32, #tpu.memory_space<hbm>>, %arg7: memref<16xf32, #tpu.memory_space<hbm>>, %arg8: memref<16384xf32, #tpu.memory_space<hbm>>, %arg9: memref<4x128xi32, #tpu.memory_space<vmem>>, %arg10: memref<4x128xi32, #tpu.memory_space<vmem>>, %arg11: memref<512x32xf32, #tpu.memory_space<vmem>>, %arg12: memref<512x32xf32, #tpu.memory_space<vmem>>, %arg13: memref<32xf32, #tpu.memory_space<vmem>>, %arg14: memref<16xf32, #tpu.memory_space<vmem>>, %arg15: memref<512xf32, #tpu.memory_space<vmem>>, %arg16: memref<!tpu.dma_semaphore, #tpu.memory_space<semaphore_mem>>) attributes {dimension_semantics = [#tpu.dimension_semantics<core_parallel>, #tpu.dimension_semantics<subcore_parallel>], iteration_bounds = array<i64: 2, 16>, scalar_prefetch = 0 : i64, scratch_operands = 8 : i64, tpu.core_type = #tpu.core_type<sc_vector_subcore>, window_params = [{transform_indices = #map}, {transform_indices = #map}, {transform_indices = #map1}, {transform_indices = #map1}, {transform_indices = #map2}, {transform_indices = #map2}, {transform_indices = #map2}]} {
    %mul3A = arith.constant 2 : i32
    %mul3A_0 = arith.muli %arg1, %mul3A : i32
    %add3A = arith.addi %mul3A_0, %arg0 : i32
    "tpu.region"() ({
      %run_scoped3A = tpu.sem_alloc : memref<!tpu.dma_semaphore, #tpu.memory_space<semaphore_mem>>
      %dma_start3A_170 = arith.constant 0 : i32
      %dma_start3A_171 = arith.constant 0 : i32
      %dma_start3A_172 = tpu.memref_slice %arg2[%add3A, %dma_start3A_170, %dma_start3A_171] : memref<32x4x128xi32, #tpu.memory_space<hbm>> -> memref<1x4x128xi32, #tpu.memory_space<hbm>>
      %dma_start3A_173 = tpu.memref_squeeze %dma_start3A_172 : memref<1x4x128xi32, #tpu.memory_space<hbm>> -> memref<4x128xi32, #tpu.memory_space<hbm>>
      %dma_start3A_174 = arith.constant 0 : i32
      %dma_start3A_175 = arith.constant 0 : i32
      %dma_start3A_176 = tpu.memref_slice %arg2[%add3A, %dma_start3A_174, %dma_start3A_175] : memref<32x4x128xi32, #tpu.memory_space<hbm>> -> memref<1x4x128xi32, #tpu.memory_space<hbm>>
      %dma_start3A_177 = tpu.memref_squeeze %dma_start3A_176 : memref<1x4x128xi32, #tpu.memory_space<hbm>> -> memref<4x128xi32, #tpu.memory_space<hbm>>
      tpu.enqueue_dma source(%dma_start3A_177 : memref<4x128xi32, #tpu.memory_space<hbm>>) target(%arg9 : memref<4x128xi32, #tpu.memory_space<vmem>>) target_semaphore(%run_scoped3A : memref<!tpu.dma_semaphore, #tpu.memory_space<semaphore_mem>>)
      %dma_wait3A_178 = arith.constant 0 : i32
      %dma_wait3A_179 = arith.constant 0 : i32
      %dma_wait3A_180 = tpu.memref_slice %arg2[%add3A, %dma_wait3A_178, %dma_wait3A_179] : memref<32x4x128xi32, #tpu.memory_space<hbm>> -> memref<1x4x128xi32, #tpu.memory_space<hbm>>
      %dma_wait3A_181 = tpu.memref_squeeze %dma_wait3A_180 : memref<1x4x128xi32, #tpu.memory_space<hbm>> -> memref<4x128xi32, #tpu.memory_space<hbm>>
      %dma_wait3A_182 = arith.constant 0 : i32
      %dma_wait3A_183 = arith.constant 0 : i32
      %dma_wait3A_184 = tpu.memref_slice %arg2[%add3A, %dma_wait3A_182, %dma_wait3A_183] : memref<32x4x128xi32, #tpu.memory_space<hbm>> -> memref<1x4x128xi32, #tpu.memory_space<hbm>>
      %dma_wait3A_185 = tpu.memref_squeeze %dma_wait3A_184 : memref<1x4x128xi32, #tpu.memory_space<hbm>> -> memref<4x128xi32, #tpu.memory_space<hbm>>
      tpu.wait_dma2 semaphore(%run_scoped3A : memref<!tpu.dma_semaphore, #tpu.memory_space<semaphore_mem>>) src(%dma_wait3A_185 : memref<4x128xi32, #tpu.memory_space<hbm>>) dst(%arg9 : memref<4x128xi32, #tpu.memory_space<vmem>>)
      tpu.yield
    }) : () -> ()
    "tpu.region"() ({
      %run_scoped3A = tpu.sem_alloc : memref<!tpu.dma_semaphore, #tpu.memory_space<semaphore_mem>>
      %dma_start3A_170 = arith.constant 0 : i32
      %dma_start3A_171 = arith.constant 0 : i32
      %dma_start3A_172 = tpu.memref_slice %arg3[%add3A, %dma_start3A_170, %dma_start3A_171] : memref<32x4x128xi32, #tpu.memory_space<hbm>> -> memref<1x4x128xi32, #tpu.memory_space<hbm>>
      %dma_start3A_173 = tpu.memref_squeeze %dma_start3A_172 : memref<1x4x128xi32, #tpu.memory_space<hbm>> -> memref<4x128xi32, #tpu.memory_space<hbm>>
      %dma_start3A_174 = arith.constant 0 : i32
      %dma_start3A_175 = arith.constant 0 : i32
      %dma_start3A_176 = tpu.memref_slice %arg3[%add3A, %dma_start3A_174, %dma_start3A_175] : memref<32x4x128xi32, #tpu.memory_space<hbm>> -> memref<1x4x128xi32, #tpu.memory_space<hbm>>
      %dma_start3A_177 = tpu.memref_squeeze %dma_start3A_176 : memref<1x4x128xi32, #tpu.memory_space<hbm>> -> memref<4x128xi32, #tpu.memory_space<hbm>>
      tpu.enqueue_dma source(%dma_start3A_177 : memref<4x128xi32, #tpu.memory_space<hbm>>) target(%arg10 : memref<4x128xi32, #tpu.memory_space<vmem>>) target_semaphore(%run_scoped3A : memref<!tpu.dma_semaphore, #tpu.memory_space<semaphore_mem>>)
      %dma_wait3A_178 = arith.constant 0 : i32
      %dma_wait3A_179 = arith.constant 0 : i32
      %dma_wait3A_180 = tpu.memref_slice %arg3[%add3A, %dma_wait3A_178, %dma_wait3A_179] : memref<32x4x128xi32, #tpu.memory_space<hbm>> -> memref<1x4x128xi32, #tpu.memory_space<hbm>>
      %dma_wait3A_181 = tpu.memref_squeeze %dma_wait3A_180 : memref<1x4x128xi32, #tpu.memory_space<hbm>> -> memref<4x128xi32, #tpu.memory_space<hbm>>
      %dma_wait3A_182 = arith.constant 0 : i32
      %dma_wait3A_183 = arith.constant 0 : i32
      %dma_wait3A_184 = tpu.memref_slice %arg3[%add3A, %dma_wait3A_182, %dma_wait3A_183] : memref<32x4x128xi32, #tpu.memory_space<hbm>> -> memref<1x4x128xi32, #tpu.memory_space<hbm>>
      %dma_wait3A_185 = tpu.memref_squeeze %dma_wait3A_184 : memref<1x4x128xi32, #tpu.memory_space<hbm>> -> memref<4x128xi32, #tpu.memory_space<hbm>>
      tpu.wait_dma2 semaphore(%run_scoped3A : memref<!tpu.dma_semaphore, #tpu.memory_space<semaphore_mem>>) src(%dma_wait3A_185 : memref<4x128xi32, #tpu.memory_space<hbm>>) dst(%arg10 : memref<4x128xi32, #tpu.memory_space<vmem>>)
      tpu.yield
    }) : () -> ()
    "tpu.region"() ({
      %run_scoped3A = tpu.sem_alloc : memref<!tpu.dma_semaphore, #tpu.memory_space<semaphore_mem>>
      tpu.enqueue_dma source(%arg6 : memref<32xf32, #tpu.memory_space<hbm>>) target(%arg13 : memref<32xf32, #tpu.memory_space<vmem>>) target_semaphore(%run_scoped3A : memref<!tpu.dma_semaphore, #tpu.memory_space<semaphore_mem>>)
      tpu.wait_dma2 semaphore(%run_scoped3A : memref<!tpu.dma_semaphore, #tpu.memory_space<semaphore_mem>>) src(%arg6 : memref<32xf32, #tpu.memory_space<hbm>>) dst(%arg13 : memref<32xf32, #tpu.memory_space<vmem>>)
      tpu.yield
    }) : () -> ()
    "tpu.region"() ({
      %run_scoped3A = tpu.sem_alloc : memref<!tpu.dma_semaphore, #tpu.memory_space<semaphore_mem>>
      tpu.enqueue_dma source(%arg7 : memref<16xf32, #tpu.memory_space<hbm>>) target(%arg14 : memref<16xf32, #tpu.memory_space<vmem>>) target_semaphore(%run_scoped3A : memref<!tpu.dma_semaphore, #tpu.memory_space<semaphore_mem>>)
      tpu.wait_dma2 semaphore(%run_scoped3A : memref<!tpu.dma_semaphore, #tpu.memory_space<semaphore_mem>>) src(%arg7 : memref<16xf32, #tpu.memory_space<hbm>>) dst(%arg14 : memref<16xf32, #tpu.memory_space<vmem>>)
      tpu.yield
    }) : () -> ()
    %dma_start3A = arith.constant 0 : i32
    %dma_start3A_1 = arith.constant 0 : i32
    %dma_start3A_2 = arith.constant 0 : i32
    %dma_start3A_3 = tpu.memref_slice %arg11[%dma_start3A_1, %dma_start3A_2] : memref<512x32xf32, #tpu.memory_space<vmem>> -> memref<128x32xf32, #tpu.memory_space<vmem>>
    %dma_start3A_4 = arith.constant 0 : i32
    %dma_start3A_5 = tpu.memref_slice %arg9[%dma_start3A, %dma_start3A_4] : memref<4x128xi32, #tpu.memory_space<vmem>> -> memref<1x128xi32, #tpu.memory_space<vmem>>
    %dma_start3A_6 = tpu.memref_squeeze %dma_start3A_5 : memref<1x128xi32, #tpu.memory_space<vmem>> -> memref<128xi32, #tpu.memory_space<vmem>>
    %dma_start3A_7 = arith.constant 0 : i32
    %dma_start3A_8 = arith.constant 0 : i32
    %dma_start3A_9 = tpu.memref_slice %arg4[%dma_start3A_7, %dma_start3A_8] : memref<1000000x32xf32, #tpu.memory_space<hbm>> -> memref<1000000x32xf32, #tpu.memory_space<hbm>>
    tpu.enqueue_indirect_dma source(%dma_start3A_9 : memref<1000000x32xf32, #tpu.memory_space<hbm>>) target(%dma_start3A_3 : memref<128x32xf32, #tpu.memory_space<vmem>>) offsets(%dma_start3A_6 : memref<128xi32, #tpu.memory_space<vmem>>) semaphore(%arg16 : memref<!tpu.dma_semaphore, #tpu.memory_space<semaphore_mem>>)
    %dma_start3A_10 = arith.constant 0 : i32
    %dma_start3A_11 = arith.constant 0 : i32
    %dma_start3A_12 = arith.constant 0 : i32
    %dma_start3A_13 = tpu.memref_slice %arg12[%dma_start3A_11, %dma_start3A_12] : memref<512x32xf32, #tpu.memory_space<vmem>> -> memref<128x32xf32, #tpu.memory_space<vmem>>
    %dma_start3A_14 = arith.constant 0 : i32
    %dma_start3A_15 = tpu.memref_slice %arg10[%dma_start3A_10, %dma_start3A_14] : memref<4x128xi32, #tpu.memory_space<vmem>> -> memref<1x128xi32, #tpu.memory_space<vmem>>
    %dma_start3A_16 = tpu.memref_squeeze %dma_start3A_15 : memref<1x128xi32, #tpu.memory_space<vmem>> -> memref<128xi32, #tpu.memory_space<vmem>>
    %dma_start3A_17 = arith.constant 0 : i32
    %dma_start3A_18 = arith.constant 0 : i32
    %dma_start3A_19 = tpu.memref_slice %arg5[%dma_start3A_17, %dma_start3A_18] : memref<1000000x32xf32, #tpu.memory_space<hbm>> -> memref<1000000x32xf32, #tpu.memory_space<hbm>>
    tpu.enqueue_indirect_dma source(%dma_start3A_19 : memref<1000000x32xf32, #tpu.memory_space<hbm>>) target(%dma_start3A_13 : memref<128x32xf32, #tpu.memory_space<vmem>>) offsets(%dma_start3A_16 : memref<128xi32, #tpu.memory_space<vmem>>) semaphore(%arg16 : memref<!tpu.dma_semaphore, #tpu.memory_space<semaphore_mem>>)
    %dma_start3A_20 = arith.constant 1 : i32
    %dma_start3A_21 = arith.constant 128 : i32
    %dma_start3A_22 = arith.constant 0 : i32
    %dma_start3A_23 = tpu.memref_slice %arg11[%dma_start3A_21, %dma_start3A_22] : memref<512x32xf32, #tpu.memory_space<vmem>> -> memref<128x32xf32, #tpu.memory_space<vmem>>
    %dma_start3A_24 = arith.constant 0 : i32
    %dma_start3A_25 = tpu.memref_slice %arg9[%dma_start3A_20, %dma_start3A_24] : memref<4x128xi32, #tpu.memory_space<vmem>> -> memref<1x128xi32, #tpu.memory_space<vmem>>
    %dma_start3A_26 = tpu.memref_squeeze %dma_start3A_25 : memref<1x128xi32, #tpu.memory_space<vmem>> -> memref<128xi32, #tpu.memory_space<vmem>>
    %dma_start3A_27 = arith.constant 0 : i32
    %dma_start3A_28 = arith.constant 0 : i32
    %dma_start3A_29 = tpu.memref_slice %arg4[%dma_start3A_27, %dma_start3A_28] : memref<1000000x32xf32, #tpu.memory_space<hbm>> -> memref<1000000x32xf32, #tpu.memory_space<hbm>>
    tpu.enqueue_indirect_dma source(%dma_start3A_29 : memref<1000000x32xf32, #tpu.memory_space<hbm>>) target(%dma_start3A_23 : memref<128x32xf32, #tpu.memory_space<vmem>>) offsets(%dma_start3A_26 : memref<128xi32, #tpu.memory_space<vmem>>) semaphore(%arg16 : memref<!tpu.dma_semaphore, #tpu.memory_space<semaphore_mem>>)
    %dma_start3A_30 = arith.constant 1 : i32
    %dma_start3A_31 = arith.constant 128 : i32
    %dma_start3A_32 = arith.constant 0 : i32
    %dma_start3A_33 = tpu.memref_slice %arg12[%dma_start3A_31, %dma_start3A_32] : memref<512x32xf32, #tpu.memory_space<vmem>> -> memref<128x32xf32, #tpu.memory_space<vmem>>
    %dma_start3A_34 = arith.constant 0 : i32
    %dma_start3A_35 = tpu.memref_slice %arg10[%dma_start3A_30, %dma_start3A_34] : memref<4x128xi32, #tpu.memory_space<vmem>> -> memref<1x128xi32, #tpu.memory_space<vmem>>
    %dma_start3A_36 = tpu.memref_squeeze %dma_start3A_35 : memref<1x128xi32, #tpu.memory_space<vmem>> -> memref<128xi32, #tpu.memory_space<vmem>>
    %dma_start3A_37 = arith.constant 0 : i32
    %dma_start3A_38 = arith.constant 0 : i32
    %dma_start3A_39 = tpu.memref_slice %arg5[%dma_start3A_37, %dma_start3A_38] : memref<1000000x32xf32, #tpu.memory_space<hbm>> -> memref<1000000x32xf32, #tpu.memory_space<hbm>>
    tpu.enqueue_indirect_dma source(%dma_start3A_39 : memref<1000000x32xf32, #tpu.memory_space<hbm>>) target(%dma_start3A_33 : memref<128x32xf32, #tpu.memory_space<vmem>>) offsets(%dma_start3A_36 : memref<128xi32, #tpu.memory_space<vmem>>) semaphore(%arg16 : memref<!tpu.dma_semaphore, #tpu.memory_space<semaphore_mem>>)
    %dma_start3A_40 = arith.constant 2 : i32
    %dma_start3A_41 = arith.constant 256 : i32
    %dma_start3A_42 = arith.constant 0 : i32
    %dma_start3A_43 = tpu.memref_slice %arg11[%dma_start3A_41, %dma_start3A_42] : memref<512x32xf32, #tpu.memory_space<vmem>> -> memref<128x32xf32, #tpu.memory_space<vmem>>
    %dma_start3A_44 = arith.constant 0 : i32
    %dma_start3A_45 = tpu.memref_slice %arg9[%dma_start3A_40, %dma_start3A_44] : memref<4x128xi32, #tpu.memory_space<vmem>> -> memref<1x128xi32, #tpu.memory_space<vmem>>
    %dma_start3A_46 = tpu.memref_squeeze %dma_start3A_45 : memref<1x128xi32, #tpu.memory_space<vmem>> -> memref<128xi32, #tpu.memory_space<vmem>>
    %dma_start3A_47 = arith.constant 0 : i32
    %dma_start3A_48 = arith.constant 0 : i32
    %dma_start3A_49 = tpu.memref_slice %arg4[%dma_start3A_47, %dma_start3A_48] : memref<1000000x32xf32, #tpu.memory_space<hbm>> -> memref<1000000x32xf32, #tpu.memory_space<hbm>>
    tpu.enqueue_indirect_dma source(%dma_start3A_49 : memref<1000000x32xf32, #tpu.memory_space<hbm>>) target(%dma_start3A_43 : memref<128x32xf32, #tpu.memory_space<vmem>>) offsets(%dma_start3A_46 : memref<128xi32, #tpu.memory_space<vmem>>) semaphore(%arg16 : memref<!tpu.dma_semaphore, #tpu.memory_space<semaphore_mem>>)
    %dma_start3A_50 = arith.constant 2 : i32
    %dma_start3A_51 = arith.constant 256 : i32
    %dma_start3A_52 = arith.constant 0 : i32
    %dma_start3A_53 = tpu.memref_slice %arg12[%dma_start3A_51, %dma_start3A_52] : memref<512x32xf32, #tpu.memory_space<vmem>> -> memref<128x32xf32, #tpu.memory_space<vmem>>
    %dma_start3A_54 = arith.constant 0 : i32
    %dma_start3A_55 = tpu.memref_slice %arg10[%dma_start3A_50, %dma_start3A_54] : memref<4x128xi32, #tpu.memory_space<vmem>> -> memref<1x128xi32, #tpu.memory_space<vmem>>
    %dma_start3A_56 = tpu.memref_squeeze %dma_start3A_55 : memref<1x128xi32, #tpu.memory_space<vmem>> -> memref<128xi32, #tpu.memory_space<vmem>>
    %dma_start3A_57 = arith.constant 0 : i32
    %dma_start3A_58 = arith.constant 0 : i32
    %dma_start3A_59 = tpu.memref_slice %arg5[%dma_start3A_57, %dma_start3A_58] : memref<1000000x32xf32, #tpu.memory_space<hbm>> -> memref<1000000x32xf32, #tpu.memory_space<hbm>>
    tpu.enqueue_indirect_dma source(%dma_start3A_59 : memref<1000000x32xf32, #tpu.memory_space<hbm>>) target(%dma_start3A_53 : memref<128x32xf32, #tpu.memory_space<vmem>>) offsets(%dma_start3A_56 : memref<128xi32, #tpu.memory_space<vmem>>) semaphore(%arg16 : memref<!tpu.dma_semaphore, #tpu.memory_space<semaphore_mem>>)
    %dma_start3A_60 = arith.constant 3 : i32
    %dma_start3A_61 = arith.constant 384 : i32
    %dma_start3A_62 = arith.constant 0 : i32
    %dma_start3A_63 = tpu.memref_slice %arg11[%dma_start3A_61, %dma_start3A_62] : memref<512x32xf32, #tpu.memory_space<vmem>> -> memref<128x32xf32, #tpu.memory_space<vmem>>
    %dma_start3A_64 = arith.constant 0 : i32
    %dma_start3A_65 = tpu.memref_slice %arg9[%dma_start3A_60, %dma_start3A_64] : memref<4x128xi32, #tpu.memory_space<vmem>> -> memref<1x128xi32, #tpu.memory_space<vmem>>
    %dma_start3A_66 = tpu.memref_squeeze %dma_start3A_65 : memref<1x128xi32, #tpu.memory_space<vmem>> -> memref<128xi32, #tpu.memory_space<vmem>>
    %dma_start3A_67 = arith.constant 0 : i32
    %dma_start3A_68 = arith.constant 0 : i32
    %dma_start3A_69 = tpu.memref_slice %arg4[%dma_start3A_67, %dma_start3A_68] : memref<1000000x32xf32, #tpu.memory_space<hbm>> -> memref<1000000x32xf32, #tpu.memory_space<hbm>>
    tpu.enqueue_indirect_dma source(%dma_start3A_69 : memref<1000000x32xf32, #tpu.memory_space<hbm>>) target(%dma_start3A_63 : memref<128x32xf32, #tpu.memory_space<vmem>>) offsets(%dma_start3A_66 : memref<128xi32, #tpu.memory_space<vmem>>) semaphore(%arg16 : memref<!tpu.dma_semaphore, #tpu.memory_space<semaphore_mem>>)
    %dma_start3A_70 = arith.constant 3 : i32
    %dma_start3A_71 = arith.constant 384 : i32
    %dma_start3A_72 = arith.constant 0 : i32
    %dma_start3A_73 = tpu.memref_slice %arg12[%dma_start3A_71, %dma_start3A_72] : memref<512x32xf32, #tpu.memory_space<vmem>> -> memref<128x32xf32, #tpu.memory_space<vmem>>
    %dma_start3A_74 = arith.constant 0 : i32
    %dma_start3A_75 = tpu.memref_slice %arg10[%dma_start3A_70, %dma_start3A_74] : memref<4x128xi32, #tpu.memory_space<vmem>> -> memref<1x128xi32, #tpu.memory_space<vmem>>
    %dma_start3A_76 = tpu.memref_squeeze %dma_start3A_75 : memref<1x128xi32, #tpu.memory_space<vmem>> -> memref<128xi32, #tpu.memory_space<vmem>>
    %dma_start3A_77 = arith.constant 0 : i32
    %dma_start3A_78 = arith.constant 0 : i32
    %dma_start3A_79 = tpu.memref_slice %arg5[%dma_start3A_77, %dma_start3A_78] : memref<1000000x32xf32, #tpu.memory_space<hbm>> -> memref<1000000x32xf32, #tpu.memory_space<hbm>>
    tpu.enqueue_indirect_dma source(%dma_start3A_79 : memref<1000000x32xf32, #tpu.memory_space<hbm>>) target(%dma_start3A_73 : memref<128x32xf32, #tpu.memory_space<vmem>>) offsets(%dma_start3A_76 : memref<128xi32, #tpu.memory_space<vmem>>) semaphore(%arg16 : memref<!tpu.dma_semaphore, #tpu.memory_space<semaphore_mem>>)
    %dma_wait3A = arith.constant 0 : i32
    %dma_wait3A_80 = arith.constant 0 : i32
    %dma_wait3A_81 = arith.constant 0 : i32
    %dma_wait3A_82 = tpu.memref_slice %arg11[%dma_wait3A_80, %dma_wait3A_81] : memref<512x32xf32, #tpu.memory_space<vmem>> -> memref<128x32xf32, #tpu.memory_space<vmem>>
    %dma_wait3A_83 = arith.constant 0 : i32
    %dma_wait3A_84 = tpu.memref_slice %arg9[%dma_wait3A, %dma_wait3A_83] : memref<4x128xi32, #tpu.memory_space<vmem>> -> memref<1x128xi32, #tpu.memory_space<vmem>>
    %dma_wait3A_85 = tpu.memref_squeeze %dma_wait3A_84 : memref<1x128xi32, #tpu.memory_space<vmem>> -> memref<128xi32, #tpu.memory_space<vmem>>
    %dma_wait3A_86 = arith.constant 0 : i32
    %dma_wait3A_87 = arith.constant 0 : i32
    %dma_wait3A_88 = tpu.memref_slice %arg4[%dma_wait3A_86, %dma_wait3A_87] : memref<1000000x32xf32, #tpu.memory_space<hbm>> -> memref<1000000x32xf32, #tpu.memory_space<hbm>>
    tpu.wait_indirect_dma semaphore(%arg16 : memref<!tpu.dma_semaphore, #tpu.memory_space<semaphore_mem>>) src(%dma_wait3A_88 : memref<1000000x32xf32, #tpu.memory_space<hbm>>) dst(%dma_wait3A_82 : memref<128x32xf32, #tpu.memory_space<vmem>>)
    %dma_wait3A_89 = arith.constant 0 : i32
    %dma_wait3A_90 = arith.constant 0 : i32
    %dma_wait3A_91 = arith.constant 0 : i32
    %dma_wait3A_92 = tpu.memref_slice %arg12[%dma_wait3A_90, %dma_wait3A_91] : memref<512x32xf32, #tpu.memory_space<vmem>> -> memref<128x32xf32, #tpu.memory_space<vmem>>
    %dma_wait3A_93 = arith.constant 0 : i32
    %dma_wait3A_94 = tpu.memref_slice %arg10[%dma_wait3A_89, %dma_wait3A_93] : memref<4x128xi32, #tpu.memory_space<vmem>> -> memref<1x128xi32, #tpu.memory_space<vmem>>
    %dma_wait3A_95 = tpu.memref_squeeze %dma_wait3A_94 : memref<1x128xi32, #tpu.memory_space<vmem>> -> memref<128xi32, #tpu.memory_space<vmem>>
    %dma_wait3A_96 = arith.constant 0 : i32
    %dma_wait3A_97 = arith.constant 0 : i32
    %dma_wait3A_98 = tpu.memref_slice %arg5[%dma_wait3A_96, %dma_wait3A_97] : memref<1000000x32xf32, #tpu.memory_space<hbm>> -> memref<1000000x32xf32, #tpu.memory_space<hbm>>
    tpu.wait_indirect_dma semaphore(%arg16 : memref<!tpu.dma_semaphore, #tpu.memory_space<semaphore_mem>>) src(%dma_wait3A_98 : memref<1000000x32xf32, #tpu.memory_space<hbm>>) dst(%dma_wait3A_92 : memref<128x32xf32, #tpu.memory_space<vmem>>)
    %dma_wait3A_99 = arith.constant 1 : i32
    %dma_wait3A_100 = arith.constant 128 : i32
    %dma_wait3A_101 = arith.constant 0 : i32
    %dma_wait3A_102 = tpu.memref_slice %arg11[%dma_wait3A_100, %dma_wait3A_101] : memref<512x32xf32, #tpu.memory_space<vmem>> -> memref<128x32xf32, #tpu.memory_space<vmem>>
    %dma_wait3A_103 = arith.constant 0 : i32
    %dma_wait3A_104 = tpu.memref_slice %arg9[%dma_wait3A_99, %dma_wait3A_103] : memref<4x128xi32, #tpu.memory_space<vmem>> -> memref<1x128xi32, #tpu.memory_space<vmem>>
    %dma_wait3A_105 = tpu.memref_squeeze %dma_wait3A_104 : memref<1x128xi32, #tpu.memory_space<vmem>> -> memref<128xi32, #tpu.memory_space<vmem>>
    %dma_wait3A_106 = arith.constant 0 : i32
    %dma_wait3A_107 = arith.constant 0 : i32
    %dma_wait3A_108 = tpu.memref_slice %arg4[%dma_wait3A_106, %dma_wait3A_107] : memref<1000000x32xf32, #tpu.memory_space<hbm>> -> memref<1000000x32xf32, #tpu.memory_space<hbm>>
    tpu.wait_indirect_dma semaphore(%arg16 : memref<!tpu.dma_semaphore, #tpu.memory_space<semaphore_mem>>) src(%dma_wait3A_108 : memref<1000000x32xf32, #tpu.memory_space<hbm>>) dst(%dma_wait3A_102 : memref<128x32xf32, #tpu.memory_space<vmem>>)
    %dma_wait3A_109 = arith.constant 1 : i32
    %dma_wait3A_110 = arith.constant 128 : i32
    %dma_wait3A_111 = arith.constant 0 : i32
    %dma_wait3A_112 = tpu.memref_slice %arg12[%dma_wait3A_110, %dma_wait3A_111] : memref<512x32xf32, #tpu.memory_space<vmem>> -> memref<128x32xf32, #tpu.memory_space<vmem>>
    %dma_wait3A_113 = arith.constant 0 : i32
    %dma_wait3A_114 = tpu.memref_slice %arg10[%dma_wait3A_109, %dma_wait3A_113] : memref<4x128xi32, #tpu.memory_space<vmem>> -> memref<1x128xi32, #tpu.memory_space<vmem>>
    %dma_wait3A_115 = tpu.memref_squeeze %dma_wait3A_114 : memref<1x128xi32, #tpu.memory_space<vmem>> -> memref<128xi32, #tpu.memory_space<vmem>>
    %dma_wait3A_116 = arith.constant 0 : i32
    %dma_wait3A_117 = arith.constant 0 : i32
    %dma_wait3A_118 = tpu.memref_slice %arg5[%dma_wait3A_116, %dma_wait3A_117] : memref<1000000x32xf32, #tpu.memory_space<hbm>> -> memref<1000000x32xf32, #tpu.memory_space<hbm>>
    tpu.wait_indirect_dma semaphore(%arg16 : memref<!tpu.dma_semaphore, #tpu.memory_space<semaphore_mem>>) src(%dma_wait3A_118 : memref<1000000x32xf32, #tpu.memory_space<hbm>>) dst(%dma_wait3A_112 : memref<128x32xf32, #tpu.memory_space<vmem>>)
    %dma_wait3A_119 = arith.constant 2 : i32
    %dma_wait3A_120 = arith.constant 256 : i32
    %dma_wait3A_121 = arith.constant 0 : i32
    %dma_wait3A_122 = tpu.memref_slice %arg11[%dma_wait3A_120, %dma_wait3A_121] : memref<512x32xf32, #tpu.memory_space<vmem>> -> memref<128x32xf32, #tpu.memory_space<vmem>>
    %dma_wait3A_123 = arith.constant 0 : i32
    %dma_wait3A_124 = tpu.memref_slice %arg9[%dma_wait3A_119, %dma_wait3A_123] : memref<4x128xi32, #tpu.memory_space<vmem>> -> memref<1x128xi32, #tpu.memory_space<vmem>>
    %dma_wait3A_125 = tpu.memref_squeeze %dma_wait3A_124 : memref<1x128xi32, #tpu.memory_space<vmem>> -> memref<128xi32, #tpu.memory_space<vmem>>
    %dma_wait3A_126 = arith.constant 0 : i32
    %dma_wait3A_127 = arith.constant 0 : i32
    %dma_wait3A_128 = tpu.memref_slice %arg4[%dma_wait3A_126, %dma_wait3A_127] : memref<1000000x32xf32, #tpu.memory_space<hbm>> -> memref<1000000x32xf32, #tpu.memory_space<hbm>>
    tpu.wait_indirect_dma semaphore(%arg16 : memref<!tpu.dma_semaphore, #tpu.memory_space<semaphore_mem>>) src(%dma_wait3A_128 : memref<1000000x32xf32, #tpu.memory_space<hbm>>) dst(%dma_wait3A_122 : memref<128x32xf32, #tpu.memory_space<vmem>>)
    %dma_wait3A_129 = arith.constant 2 : i32
    %dma_wait3A_130 = arith.constant 256 : i32
    %dma_wait3A_131 = arith.constant 0 : i32
    %dma_wait3A_132 = tpu.memref_slice %arg12[%dma_wait3A_130, %dma_wait3A_131] : memref<512x32xf32, #tpu.memory_space<vmem>> -> memref<128x32xf32, #tpu.memory_space<vmem>>
    %dma_wait3A_133 = arith.constant 0 : i32
    %dma_wait3A_134 = tpu.memref_slice %arg10[%dma_wait3A_129, %dma_wait3A_133] : memref<4x128xi32, #tpu.memory_space<vmem>> -> memref<1x128xi32, #tpu.memory_space<vmem>>
    %dma_wait3A_135 = tpu.memref_squeeze %dma_wait3A_134 : memref<1x128xi32, #tpu.memory_space<vmem>> -> memref<128xi32, #tpu.memory_space<vmem>>
    %dma_wait3A_136 = arith.constant 0 : i32
    %dma_wait3A_137 = arith.constant 0 : i32
    %dma_wait3A_138 = tpu.memref_slice %arg5[%dma_wait3A_136, %dma_wait3A_137] : memref<1000000x32xf32, #tpu.memory_space<hbm>> -> memref<1000000x32xf32, #tpu.memory_space<hbm>>
    tpu.wait_indirect_dma semaphore(%arg16 : memref<!tpu.dma_semaphore, #tpu.memory_space<semaphore_mem>>) src(%dma_wait3A_138 : memref<1000000x32xf32, #tpu.memory_space<hbm>>) dst(%dma_wait3A_132 : memref<128x32xf32, #tpu.memory_space<vmem>>)
    %dma_wait3A_139 = arith.constant 3 : i32
    %dma_wait3A_140 = arith.constant 384 : i32
    %dma_wait3A_141 = arith.constant 0 : i32
    %dma_wait3A_142 = tpu.memref_slice %arg11[%dma_wait3A_140, %dma_wait3A_141] : memref<512x32xf32, #tpu.memory_space<vmem>> -> memref<128x32xf32, #tpu.memory_space<vmem>>
    %dma_wait3A_143 = arith.constant 0 : i32
    %dma_wait3A_144 = tpu.memref_slice %arg9[%dma_wait3A_139, %dma_wait3A_143] : memref<4x128xi32, #tpu.memory_space<vmem>> -> memref<1x128xi32, #tpu.memory_space<vmem>>
    %dma_wait3A_145 = tpu.memref_squeeze %dma_wait3A_144 : memref<1x128xi32, #tpu.memory_space<vmem>> -> memref<128xi32, #tpu.memory_space<vmem>>
    %dma_wait3A_146 = arith.constant 0 : i32
    %dma_wait3A_147 = arith.constant 0 : i32
    %dma_wait3A_148 = tpu.memref_slice %arg4[%dma_wait3A_146, %dma_wait3A_147] : memref<1000000x32xf32, #tpu.memory_space<hbm>> -> memref<1000000x32xf32, #tpu.memory_space<hbm>>
    tpu.wait_indirect_dma semaphore(%arg16 : memref<!tpu.dma_semaphore, #tpu.memory_space<semaphore_mem>>) src(%dma_wait3A_148 : memref<1000000x32xf32, #tpu.memory_space<hbm>>) dst(%dma_wait3A_142 : memref<128x32xf32, #tpu.memory_space<vmem>>)
    %dma_wait3A_149 = arith.constant 3 : i32
    %dma_wait3A_150 = arith.constant 384 : i32
    %dma_wait3A_151 = arith.constant 0 : i32
    %dma_wait3A_152 = tpu.memref_slice %arg12[%dma_wait3A_150, %dma_wait3A_151] : memref<512x32xf32, #tpu.memory_space<vmem>> -> memref<128x32xf32, #tpu.memory_space<vmem>>
    %dma_wait3A_153 = arith.constant 0 : i32
    %dma_wait3A_154 = tpu.memref_slice %arg10[%dma_wait3A_149, %dma_wait3A_153] : memref<4x128xi32, #tpu.memory_space<vmem>> -> memref<1x128xi32, #tpu.memory_space<vmem>>
    %dma_wait3A_155 = tpu.memref_squeeze %dma_wait3A_154 : memref<1x128xi32, #tpu.memory_space<vmem>> -> memref<128xi32, #tpu.memory_space<vmem>>
    %dma_wait3A_156 = arith.constant 0 : i32
    %dma_wait3A_157 = arith.constant 0 : i32
    %dma_wait3A_158 = tpu.memref_slice %arg5[%dma_wait3A_156, %dma_wait3A_157] : memref<1000000x32xf32, #tpu.memory_space<hbm>> -> memref<1000000x32xf32, #tpu.memory_space<hbm>>
    tpu.wait_indirect_dma semaphore(%arg16 : memref<!tpu.dma_semaphore, #tpu.memory_space<semaphore_mem>>) src(%dma_wait3A_158 : memref<1000000x32xf32, #tpu.memory_space<hbm>>) dst(%dma_wait3A_152 : memref<128x32xf32, #tpu.memory_space<vmem>>)
    %get3A = arith.constant 0 : index
    %get3A_159 = tpu.vector_load %arg13[%get3A] {strides = array<i32>} : memref<32xf32, #tpu.memory_space<vmem>>, vector<16xf32>,
    %get3A_160 = arith.constant 16 : index
    %get3A_161 = tpu.vector_load %arg13[%get3A_160] {strides = array<i32>} : memref<32xf32, #tpu.memory_space<vmem>>, vector<16xf32>,
    %get3A_162 = arith.constant 0 : index
    %get3A_163 = tpu.vector_load %arg14[%get3A_162] {strides = array<i32>} : memref<16xf32, #tpu.memory_space<vmem>>, vector<16xf32>,
    %iota3A = tpu.iota {dimensions = array<i32: 0>} : vector<16xi32>
    %scan3A = arith.constant 0 : i32
    %scan3A_164 = arith.constant 32 : i32
    %scan3A_165 = arith.addi %scan3A, %scan3A_164 : i32
    %scan3A_166 = arith.constant 1 : i32
    scf.for %scan3A_170 = %scan3A to %scan3A_165 step %scan3A_166  : i32 {
      %mul3A_171 = arith.constant 16 : i32
      %mul3A_172 = arith.muli %scan3A_170, %mul3A_171 : i32
      %add3A_173 = vector.broadcast %mul3A_172 : i32 to vector<16xi32>
      %add3A_174 = arith.addi %iota3A, %add3A_173 : vector<16xi32>
      %broadcast_in_dim3A = arith.constant 0.000000e+00 : f32
      %broadcast_in_dim3A_175 = vector.broadcast %broadcast_in_dim3A : f32 to vector<16xf32>
      %broadcast_in_dim3A_176 = arith.constant 0 : i32
      %broadcast_in_dim3A_177 = vector.broadcast %broadcast_in_dim3A_176 : i32 to vector<16xi32>
      %gather3A = tpu.vector_load_idx %arg11[%add3A_174, %broadcast_in_dim3A_177] : memref<512x32xf32, #tpu.memory_space<vmem>>[vector<16xi32>, vector<16xi32>], vector<16xf32>,
      %gather3A_178 = tpu.vector_load_idx %arg12[%add3A_174, %broadcast_in_dim3A_177] : memref<512x32xf32, #tpu.memory_space<vmem>>[vector<16xi32>, vector<16xi32>], vector<16xf32>,
      %broadcast_in_dim3A_179 = arith.constant 0 : i32
      %broadcast_in_dim3A_180 = vector.broadcast %broadcast_in_dim3A_179 : i32 to vector<16xi32>
      %lt3A = arith.constant 0 : i32
      %lt3A_181 = vector.broadcast %lt3A : i32 to vector<16xi32>
      %lt3A_182 = arith.cmpi slt, %broadcast_in_dim3A_180, %lt3A_181 : vector<16xi32>
      %add3A_183 = arith.constant 16 : i32
      %add3A_184 = vector.broadcast %add3A_183 : i32 to vector<16xi32>
      %add3A_185 = arith.addi %broadcast_in_dim3A_180, %add3A_184 : vector<16xi32>
      %select_n3A = arith.select %lt3A_182, %add3A_185, %broadcast_in_dim3A_180 : vector<16xi1>, vector<16xi32>
      %broadcast_in_dim3A_186 = vector.shape_cast %select_n3A : vector<16xi32> to vector<16x1xi32>
      %gather3A_187 = vector.shape_cast %broadcast_in_dim3A_186 : vector<16x1xi32> to vector<16xi32>
      %gather3A_188 = tpu.dynamic_gather %get3A_159[%gather3A_187] in [0] : vector<16xf32>, vector<16xi32> -> vector<16xf32>
      %mul3A_189 = arith.mulf %gather3A, %gather3A_178 : vector<16xf32>
      %mul3A_190 = arith.mulf %mul3A_189, %gather3A_188 : vector<16xf32>
      %add3A_191 = arith.addf %broadcast_in_dim3A_175, %mul3A_190 : vector<16xf32>
      %broadcast_in_dim3A_192 = arith.constant 1 : i32
      %broadcast_in_dim3A_193 = vector.broadcast %broadcast_in_dim3A_192 : i32 to vector<16xi32>
      %gather3A_194 = tpu.vector_load_idx %arg11[%add3A_174, %broadcast_in_dim3A_193] : memref<512x32xf32, #tpu.memory_space<vmem>>[vector<16xi32>, vector<16xi32>], vector<16xf32>,
      %gather3A_195 = tpu.vector_load_idx %arg12[%add3A_174, %broadcast_in_dim3A_193] : memref<512x32xf32, #tpu.memory_space<vmem>>[vector<16xi32>, vector<16xi32>], vector<16xf32>,
      %broadcast_in_dim3A_196 = arith.constant 1 : i32
      %broadcast_in_dim3A_197 = vector.broadcast %broadcast_in_dim3A_196 : i32 to vector<16xi32>
      %lt3A_198 = arith.constant 0 : i32
      %lt3A_199 = vector.broadcast %lt3A_198 : i32 to vector<16xi32>
      %lt3A_200 = arith.cmpi slt, %broadcast_in_dim3A_197, %lt3A_199 : vector<16xi32>
      %add3A_201 = arith.constant 16 : i32
      %add3A_202 = vector.broadcast %add3A_201 : i32 to vector<16xi32>
      %add3A_203 = arith.addi %broadcast_in_dim3A_197, %add3A_202 : vector<16xi32>
      %select_n3A_204 = arith.select %lt3A_200, %add3A_203, %broadcast_in_dim3A_197 : vector<16xi1>, vector<16xi32>
      %broadcast_in_dim3A_205 = vector.shape_cast %select_n3A_204 : vector<16xi32> to vector<16x1xi32>
      %gather3A_206 = vector.shape_cast %broadcast_in_dim3A_205 : vector<16x1xi32> to vector<16xi32>
      %gather3A_207 = tpu.dynamic_gather %get3A_159[%gather3A_206] in [0] : vector<16xf32>, vector<16xi32> -> vector<16xf32>
      %mul3A_208 = arith.mulf %gather3A_194, %gather3A_195 : vector<16xf32>
      %mul3A_209 = arith.mulf %mul3A_208, %gather3A_207 : vector<16xf32>
      %add3A_210 = arith.addf %add3A_191, %mul3A_209 : vector<16xf32>
      %broadcast_in_dim3A_211 = arith.constant 2 : i32
      %broadcast_in_dim3A_212 = vector.broadcast %broadcast_in_dim3A_211 : i32 to vector<16xi32>
      %gather3A_213 = tpu.vector_load_idx %arg11[%add3A_174, %broadcast_in_dim3A_212] : memref<512x32xf32, #tpu.memory_space<vmem>>[vector<16xi32>, vector<16xi32>], vector<16xf32>,
      %gather3A_214 = tpu.vector_load_idx %arg12[%add3A_174, %broadcast_in_dim3A_212] : memref<512x32xf32, #tpu.memory_space<vmem>>[vector<16xi32>, vector<16xi32>], vector<16xf32>,
      %broadcast_in_dim3A_215 = arith.constant 2 : i32
      %broadcast_in_dim3A_216 = vector.broadcast %broadcast_in_dim3A_215 : i32 to vector<16xi32>
      %lt3A_217 = arith.constant 0 : i32
      %lt3A_218 = vector.broadcast %lt3A_217 : i32 to vector<16xi32>
      %lt3A_219 = arith.cmpi slt, %broadcast_in_dim3A_216, %lt3A_218 : vector<16xi32>
      %add3A_220 = arith.constant 16 : i32
      %add3A_221 = vector.broadcast %add3A_220 : i32 to vector<16xi32>
      %add3A_222 = arith.addi %broadcast_in_dim3A_216, %add3A_221 : vector<16xi32>
      %select_n3A_223 = arith.select %lt3A_219, %add3A_222, %broadcast_in_dim3A_216 : vector<16xi1>, vector<16xi32>
      %broadcast_in_dim3A_224 = vector.shape_cast %select_n3A_223 : vector<16xi32> to vector<16x1xi32>
      %gather3A_225 = vector.shape_cast %broadcast_in_dim3A_224 : vector<16x1xi32> to vector<16xi32>
      %gather3A_226 = tpu.dynamic_gather %get3A_159[%gather3A_225] in [0] : vector<16xf32>, vector<16xi32> -> vector<16xf32>
      %mul3A_227 = arith.mulf %gather3A_213, %gather3A_214 : vector<16xf32>
      %mul3A_228 = arith.mulf %mul3A_227, %gather3A_226 : vector<16xf32>
      %add3A_229 = arith.addf %add3A_210, %mul3A_228 : vector<16xf32>
      %broadcast_in_dim3A_230 = arith.constant 3 : i32
      %broadcast_in_dim3A_231 = vector.broadcast %broadcast_in_dim3A_230 : i32 to vector<16xi32>
      %gather3A_232 = tpu.vector_load_idx %arg11[%add3A_174, %broadcast_in_dim3A_231] : memref<512x32xf32, #tpu.memory_space<vmem>>[vector<16xi32>, vector<16xi32>], vector<16xf32>,
      %gather3A_233 = tpu.vector_load_idx %arg12[%add3A_174, %broadcast_in_dim3A_231] : memref<512x32xf32, #tpu.memory_space<vmem>>[vector<16xi32>, vector<16xi32>], vector<16xf32>,
      %broadcast_in_dim3A_234 = arith.constant 3 : i32
      %broadcast_in_dim3A_235 = vector.broadcast %broadcast_in_dim3A_234 : i32 to vector<16xi32>
      %lt3A_236 = arith.constant 0 : i32
      %lt3A_237 = vector.broadcast %lt3A_236 : i32 to vector<16xi32>
      %lt3A_238 = arith.cmpi slt, %broadcast_in_dim3A_235, %lt3A_237 : vector<16xi32>
      %add3A_239 = arith.constant 16 : i32
      %add3A_240 = vector.broadcast %add3A_239 : i32 to vector<16xi32>
      %add3A_241 = arith.addi %broadcast_in_dim3A_235, %add3A_240 : vector<16xi32>
      %select_n3A_242 = arith.select %lt3A_238, %add3A_241, %broadcast_in_dim3A_235 : vector<16xi1>, vector<16xi32>
      %broadcast_in_dim3A_243 = vector.shape_cast %select_n3A_242 : vector<16xi32> to vector<16x1xi32>
      %gather3A_244 = vector.shape_cast %broadcast_in_dim3A_243 : vector<16x1xi32> to vector<16xi32>
      %gather3A_245 = tpu.dynamic_gather %get3A_159[%gather3A_244] in [0] : vector<16xf32>, vector<16xi32> -> vector<16xf32>
      %mul3A_246 = arith.mulf %gather3A_232, %gather3A_233 : vector<16xf32>
      %mul3A_247 = arith.mulf %mul3A_246, %gather3A_245 : vector<16xf32>
      %add3A_248 = arith.addf %add3A_229, %mul3A_247 : vector<16xf32>
      %broadcast_in_dim3A_249 = arith.constant 4 : i32
      %broadcast_in_dim3A_250 = vector.broadcast %broadcast_in_dim3A_249 : i32 to vector<16xi32>
      %gather3A_251 = tpu.vector_load_idx %arg11[%add3A_174, %broadcast_in_dim3A_250] : memref<512x32xf32, #tpu.memory_space<vmem>>[vector<16xi32>, vector<16xi32>], vector<16xf32>,
      %gather3A_252 = tpu.vector_load_idx %arg12[%add3A_174, %broadcast_in_dim3A_250] : memref<512x32xf32, #tpu.memory_space<vmem>>[vector<16xi32>, vector<16xi32>], vector<16xf32>,
      %broadcast_in_dim3A_253 = arith.constant 4 : i32
      %broadcast_in_dim3A_254 = vector.broadcast %broadcast_in_dim3A_253 : i32 to vector<16xi32>
      %lt3A_255 = arith.constant 0 : i32
      %lt3A_256 = vector.broadcast %lt3A_255 : i32 to vector<16xi32>
      %lt3A_257 = arith.cmpi slt, %broadcast_in_dim3A_254, %lt3A_256 : vector<16xi32>
      %add3A_258 = arith.constant 16 : i32
      %add3A_259 = vector.broadcast %add3A_258 : i32 to vector<16xi32>
      %add3A_260 = arith.addi %broadcast_in_dim3A_254, %add3A_259 : vector<16xi32>
      %select_n3A_261 = arith.select %lt3A_257, %add3A_260, %broadcast_in_dim3A_254 : vector<16xi1>, vector<16xi32>
      %broadcast_in_dim3A_262 = vector.shape_cast %select_n3A_261 : vector<16xi32> to vector<16x1xi32>
      %gather3A_263 = vector.shape_cast %broadcast_in_dim3A_262 : vector<16x1xi32> to vector<16xi32>
      %gather3A_264 = tpu.dynamic_gather %get3A_159[%gather3A_263] in [0] : vector<16xf32>, vector<16xi32> -> vector<16xf32>
      %mul3A_265 = arith.mulf %gather3A_251, %gather3A_252 : vector<16xf32>
      %mul3A_266 = arith.mulf %mul3A_265, %gather3A_264 : vector<16xf32>
      %add3A_267 = arith.addf %add3A_248, %mul3A_266 : vector<16xf32>
      %broadcast_in_dim3A_268 = arith.constant 5 : i32
      %broadcast_in_dim3A_269 = vector.broadcast %broadcast_in_dim3A_268 : i32 to vector<16xi32>
      %gather3A_270 = tpu.vector_load_idx %arg11[%add3A_174, %broadcast_in_dim3A_269] : memref<512x32xf32, #tpu.memory_space<vmem>>[vector<16xi32>, vector<16xi32>], vector<16xf32>,
      %gather3A_271 = tpu.vector_load_idx %arg12[%add3A_174, %broadcast_in_dim3A_269] : memref<512x32xf32, #tpu.memory_space<vmem>>[vector<16xi32>, vector<16xi32>], vector<16xf32>,
      %broadcast_in_dim3A_272 = arith.constant 5 : i32
      %broadcast_in_dim3A_273 = vector.broadcast %broadcast_in_dim3A_272 : i32 to vector<16xi32>
      %lt3A_274 = arith.constant 0 : i32
      %lt3A_275 = vector.broadcast %lt3A_274 : i32 to vector<16xi32>
      %lt3A_276 = arith.cmpi slt, %broadcast_in_dim3A_273, %lt3A_275 : vector<16xi32>
      %add3A_277 = arith.constant 16 : i32
      %add3A_278 = vector.broadcast %add3A_277 : i32 to vector<16xi32>
      %add3A_279 = arith.addi %broadcast_in_dim3A_273, %add3A_278 : vector<16xi32>
      %select_n3A_280 = arith.select %lt3A_276, %add3A_279, %broadcast_in_dim3A_273 : vector<16xi1>, vector<16xi32>
      %broadcast_in_dim3A_281 = vector.shape_cast %select_n3A_280 : vector<16xi32> to vector<16x1xi32>
      %gather3A_282 = vector.shape_cast %broadcast_in_dim3A_281 : vector<16x1xi32> to vector<16xi32>
      %gather3A_283 = tpu.dynamic_gather %get3A_159[%gather3A_282] in [0] : vector<16xf32>, vector<16xi32> -> vector<16xf32>
      %mul3A_284 = arith.mulf %gather3A_270, %gather3A_271 : vector<16xf32>
      %mul3A_285 = arith.mulf %mul3A_284, %gather3A_283 : vector<16xf32>
      %add3A_286 = arith.addf %add3A_267, %mul3A_285 : vector<16xf32>
      %broadcast_in_dim3A_287 = arith.constant 6 : i32
      %broadcast_in_dim3A_288 = vector.broadcast %broadcast_in_dim3A_287 : i32 to vector<16xi32>
      %gather3A_289 = tpu.vector_load_idx %arg11[%add3A_174, %broadcast_in_dim3A_288] : memref<512x32xf32, #tpu.memory_space<vmem>>[vector<16xi32>, vector<16xi32>], vector<16xf32>,
      %gather3A_290 = tpu.vector_load_idx %arg12[%add3A_174, %broadcast_in_dim3A_288] : memref<512x32xf32, #tpu.memory_space<vmem>>[vector<16xi32>, vector<16xi32>], vector<16xf32>,
      %broadcast_in_dim3A_291 = arith.constant 6 : i32
      %broadcast_in_dim3A_292 = vector.broadcast %broadcast_in_dim3A_291 : i32 to vector<16xi32>
      %lt3A_293 = arith.constant 0 : i32
      %lt3A_294 = vector.broadcast %lt3A_293 : i32 to vector<16xi32>
      %lt3A_295 = arith.cmpi slt, %broadcast_in_dim3A_292, %lt3A_294 : vector<16xi32>
      %add3A_296 = arith.constant 16 : i32
      %add3A_297 = vector.broadcast %add3A_296 : i32 to vector<16xi32>
      %add3A_298 = arith.addi %broadcast_in_dim3A_292, %add3A_297 : vector<16xi32>
      %select_n3A_299 = arith.select %lt3A_295, %add3A_298, %broadcast_in_dim3A_292 : vector<16xi1>, vector<16xi32>
      %broadcast_in_dim3A_300 = vector.shape_cast %select_n3A_299 : vector<16xi32> to vector<16x1xi32>
      %gather3A_301 = vector.shape_cast %broadcast_in_dim3A_300 : vector<16x1xi32> to vector<16xi32>
      %gather3A_302 = tpu.dynamic_gather %get3A_159[%gather3A_301] in [0] : vector<16xf32>, vector<16xi32> -> vector<16xf32>
      %mul3A_303 = arith.mulf %gather3A_289, %gather3A_290 : vector<16xf32>
      %mul3A_304 = arith.mulf %mul3A_303, %gather3A_302 : vector<16xf32>
      %add3A_305 = arith.addf %add3A_286, %mul3A_304 : vector<16xf32>
      %broadcast_in_dim3A_306 = arith.constant 7 : i32
      %broadcast_in_dim3A_307 = vector.broadcast %broadcast_in_dim3A_306 : i32 to vector<16xi32>
      %gather3A_308 = tpu.vector_load_idx %arg11[%add3A_174, %broadcast_in_dim3A_307] : memref<512x32xf32, #tpu.memory_space<vmem>>[vector<16xi32>, vector<16xi32>], vector<16xf32>,
      %gather3A_309 = tpu.vector_load_idx %arg12[%add3A_174, %broadcast_in_dim3A_307] : memref<512x32xf32, #tpu.memory_space<vmem>>[vector<16xi32>, vector<16xi32>], vector<16xf32>,
      %broadcast_in_dim3A_310 = arith.constant 7 : i32
      %broadcast_in_dim3A_311 = vector.broadcast %broadcast_in_dim3A_310 : i32 to vector<16xi32>
      %lt3A_312 = arith.constant 0 : i32
      %lt3A_313 = vector.broadcast %lt3A_312 : i32 to vector<16xi32>
      %lt3A_314 = arith.cmpi slt, %broadcast_in_dim3A_311, %lt3A_313 : vector<16xi32>
      %add3A_315 = arith.constant 16 : i32
      %add3A_316 = vector.broadcast %add3A_315 : i32 to vector<16xi32>
      %add3A_317 = arith.addi %broadcast_in_dim3A_311, %add3A_316 : vector<16xi32>
      %select_n3A_318 = arith.select %lt3A_314, %add3A_317, %broadcast_in_dim3A_311 : vector<16xi1>, vector<16xi32>
      %broadcast_in_dim3A_319 = vector.shape_cast %select_n3A_318 : vector<16xi32> to vector<16x1xi32>
      %gather3A_320 = vector.shape_cast %broadcast_in_dim3A_319 : vector<16x1xi32> to vector<16xi32>
      %gather3A_321 = tpu.dynamic_gather %get3A_159[%gather3A_320] in [0] : vector<16xf32>, vector<16xi32> -> vector<16xf32>
      %mul3A_322 = arith.mulf %gather3A_308, %gather3A_309 : vector<16xf32>
      %mul3A_323 = arith.mulf %mul3A_322, %gather3A_321 : vector<16xf32>
      %add3A_324 = arith.addf %add3A_305, %mul3A_323 : vector<16xf32>
      %broadcast_in_dim3A_325 = arith.constant 8 : i32
      %broadcast_in_dim3A_326 = vector.broadcast %broadcast_in_dim3A_325 : i32 to vector<16xi32>
      %gather3A_327 = tpu.vector_load_idx %arg11[%add3A_174, %broadcast_in_dim3A_326] : memref<512x32xf32, #tpu.memory_space<vmem>>[vector<16xi32>, vector<16xi32>], vector<16xf32>,
      %gather3A_328 = tpu.vector_load_idx %arg12[%add3A_174, %broadcast_in_dim3A_326] : memref<512x32xf32, #tpu.memory_space<vmem>>[vector<16xi32>, vector<16xi32>], vector<16xf32>,
      %broadcast_in_dim3A_329 = arith.constant 8 : i32
      %broadcast_in_dim3A_330 = vector.broadcast %broadcast_in_dim3A_329 : i32 to vector<16xi32>
      %lt3A_331 = arith.constant 0 : i32
      %lt3A_332 = vector.broadcast %lt3A_331 : i32 to vector<16xi32>
      %lt3A_333 = arith.cmpi slt, %broadcast_in_dim3A_330, %lt3A_332 : vector<16xi32>
      %add3A_334 = arith.constant 16 : i32
      %add3A_335 = vector.broadcast %add3A_334 : i32 to vector<16xi32>
      %add3A_336 = arith.addi %broadcast_in_dim3A_330, %add3A_335 : vector<16xi32>
      %select_n3A_337 = arith.select %lt3A_333, %add3A_336, %broadcast_in_dim3A_330 : vector<16xi1>, vector<16xi32>
      %broadcast_in_dim3A_338 = vector.shape_cast %select_n3A_337 : vector<16xi32> to vector<16x1xi32>
      %gather3A_339 = vector.shape_cast %broadcast_in_dim3A_338 : vector<16x1xi32> to vector<16xi32>
      %gather3A_340 = tpu.dynamic_gather %get3A_159[%gather3A_339] in [0] : vector<16xf32>, vector<16xi32> -> vector<16xf32>
      %mul3A_341 = arith.mulf %gather3A_327, %gather3A_328 : vector<16xf32>
      %mul3A_342 = arith.mulf %mul3A_341, %gather3A_340 : vector<16xf32>
      %add3A_343 = arith.addf %add3A_324, %mul3A_342 : vector<16xf32>
      %broadcast_in_dim3A_344 = arith.constant 9 : i32
      %broadcast_in_dim3A_345 = vector.broadcast %broadcast_in_dim3A_344 : i32 to vector<16xi32>
      %gather3A_346 = tpu.vector_load_idx %arg11[%add3A_174, %broadcast_in_dim3A_345] : memref<512x32xf32, #tpu.memory_space<vmem>>[vector<16xi32>, vector<16xi32>], vector<16xf32>,
      %gather3A_347 = tpu.vector_load_idx %arg12[%add3A_174, %broadcast_in_dim3A_345] : memref<512x32xf32, #tpu.memory_space<vmem>>[vector<16xi32>, vector<16xi32>], vector<16xf32>,
      %broadcast_in_dim3A_348 = arith.constant 9 : i32
      %broadcast_in_dim3A_349 = vector.broadcast %broadcast_in_dim3A_348 : i32 to vector<16xi32>
      %lt3A_350 = arith.constant 0 : i32
      %lt3A_351 = vector.broadcast %lt3A_350 : i32 to vector<16xi32>
      %lt3A_352 = arith.cmpi slt, %broadcast_in_dim3A_349, %lt3A_351 : vector<16xi32>
      %add3A_353 = arith.constant 16 : i32
      %add3A_354 = vector.broadcast %add3A_353 : i32 to vector<16xi32>
      %add3A_355 = arith.addi %broadcast_in_dim3A_349, %add3A_354 : vector<16xi32>
      %select_n3A_356 = arith.select %lt3A_352, %add3A_355, %broadcast_in_dim3A_349 : vector<16xi1>, vector<16xi32>
      %broadcast_in_dim3A_357 = vector.shape_cast %select_n3A_356 : vector<16xi32> to vector<16x1xi32>
      %gather3A_358 = vector.shape_cast %broadcast_in_dim3A_357 : vector<16x1xi32> to vector<16xi32>
      %gather3A_359 = tpu.dynamic_gather %get3A_159[%gather3A_358] in [0] : vector<16xf32>, vector<16xi32> -> vector<16xf32>
      %mul3A_360 = arith.mulf %gather3A_346, %gather3A_347 : vector<16xf32>
      %mul3A_361 = arith.mulf %mul3A_360, %gather3A_359 : vector<16xf32>
      %add3A_362 = arith.addf %add3A_343, %mul3A_361 : vector<16xf32>
      %broadcast_in_dim3A_363 = arith.constant 10 : i32
      %broadcast_in_dim3A_364 = vector.broadcast %broadcast_in_dim3A_363 : i32 to vector<16xi32>
      %gather3A_365 = tpu.vector_load_idx %arg11[%add3A_174, %broadcast_in_dim3A_364] : memref<512x32xf32, #tpu.memory_space<vmem>>[vector<16xi32>, vector<16xi32>], vector<16xf32>,
      %gather3A_366 = tpu.vector_load_idx %arg12[%add3A_174, %broadcast_in_dim3A_364] : memref<512x32xf32, #tpu.memory_space<vmem>>[vector<16xi32>, vector<16xi32>], vector<16xf32>,
      %broadcast_in_dim3A_367 = arith.constant 10 : i32
      %broadcast_in_dim3A_368 = vector.broadcast %broadcast_in_dim3A_367 : i32 to vector<16xi32>
      %lt3A_369 = arith.constant 0 : i32
      %lt3A_370 = vector.broadcast %lt3A_369 : i32 to vector<16xi32>
      %lt3A_371 = arith.cmpi slt, %broadcast_in_dim3A_368, %lt3A_370 : vector<16xi32>
      %add3A_372 = arith.constant 16 : i32
      %add3A_373 = vector.broadcast %add3A_372 : i32 to vector<16xi32>
      %add3A_374 = arith.addi %broadcast_in_dim3A_368, %add3A_373 : vector<16xi32>
      %select_n3A_375 = arith.select %lt3A_371, %add3A_374, %broadcast_in_dim3A_368 : vector<16xi1>, vector<16xi32>
      %broadcast_in_dim3A_376 = vector.shape_cast %select_n3A_375 : vector<16xi32> to vector<16x1xi32>
      %gather3A_377 = vector.shape_cast %broadcast_in_dim3A_376 : vector<16x1xi32> to vector<16xi32>
      %gather3A_378 = tpu.dynamic_gather %get3A_159[%gather3A_377] in [0] : vector<16xf32>, vector<16xi32> -> vector<16xf32>
      %mul3A_379 = arith.mulf %gather3A_365, %gather3A_366 : vector<16xf32>
      %mul3A_380 = arith.mulf %mul3A_379, %gather3A_378 : vector<16xf32>
      %add3A_381 = arith.addf %add3A_362, %mul3A_380 : vector<16xf32>
      %broadcast_in_dim3A_382 = arith.constant 11 : i32
      %broadcast_in_dim3A_383 = vector.broadcast %broadcast_in_dim3A_382 : i32 to vector<16xi32>
      %gather3A_384 = tpu.vector_load_idx %arg11[%add3A_174, %broadcast_in_dim3A_383] : memref<512x32xf32, #tpu.memory_space<vmem>>[vector<16xi32>, vector<16xi32>], vector<16xf32>,
      %gather3A_385 = tpu.vector_load_idx %arg12[%add3A_174, %broadcast_in_dim3A_383] : memref<512x32xf32, #tpu.memory_space<vmem>>[vector<16xi32>, vector<16xi32>], vector<16xf32>,
      %broadcast_in_dim3A_386 = arith.constant 11 : i32
      %broadcast_in_dim3A_387 = vector.broadcast %broadcast_in_dim3A_386 : i32 to vector<16xi32>
      %lt3A_388 = arith.constant 0 : i32
      %lt3A_389 = vector.broadcast %lt3A_388 : i32 to vector<16xi32>
      %lt3A_390 = arith.cmpi slt, %broadcast_in_dim3A_387, %lt3A_389 : vector<16xi32>
      %add3A_391 = arith.constant 16 : i32
      %add3A_392 = vector.broadcast %add3A_391 : i32 to vector<16xi32>
      %add3A_393 = arith.addi %broadcast_in_dim3A_387, %add3A_392 : vector<16xi32>
      %select_n3A_394 = arith.select %lt3A_390, %add3A_393, %broadcast_in_dim3A_387 : vector<16xi1>, vector<16xi32>
      %broadcast_in_dim3A_395 = vector.shape_cast %select_n3A_394 : vector<16xi32> to vector<16x1xi32>
      %gather3A_396 = vector.shape_cast %broadcast_in_dim3A_395 : vector<16x1xi32> to vector<16xi32>
      %gather3A_397 = tpu.dynamic_gather %get3A_159[%gather3A_396] in [0] : vector<16xf32>, vector<16xi32> -> vector<16xf32>
      %mul3A_398 = arith.mulf %gather3A_384, %gather3A_385 : vector<16xf32>
      %mul3A_399 = arith.mulf %mul3A_398, %gather3A_397 : vector<16xf32>
      %add3A_400 = arith.addf %add3A_381, %mul3A_399 : vector<16xf32>
      %broadcast_in_dim3A_401 = arith.constant 12 : i32
      %broadcast_in_dim3A_402 = vector.broadcast %broadcast_in_dim3A_401 : i32 to vector<16xi32>
      %gather3A_403 = tpu.vector_load_idx %arg11[%add3A_174, %broadcast_in_dim3A_402] : memref<512x32xf32, #tpu.memory_space<vmem>>[vector<16xi32>, vector<16xi32>], vector<16xf32>,
      %gather3A_404 = tpu.vector_load_idx %arg12[%add3A_174, %broadcast_in_dim3A_402] : memref<512x32xf32, #tpu.memory_space<vmem>>[vector<16xi32>, vector<16xi32>], vector<16xf32>,
      %broadcast_in_dim3A_405 = arith.constant 12 : i32
      %broadcast_in_dim3A_406 = vector.broadcast %broadcast_in_dim3A_405 : i32 to vector<16xi32>
      %lt3A_407 = arith.constant 0 : i32
      %lt3A_408 = vector.broadcast %lt3A_407 : i32 to vector<16xi32>
      %lt3A_409 = arith.cmpi slt, %broadcast_in_dim3A_406, %lt3A_408 : vector<16xi32>
      %add3A_410 = arith.constant 16 : i32
      %add3A_411 = vector.broadcast %add3A_410 : i32 to vector<16xi32>
      %add3A_412 = arith.addi %broadcast_in_dim3A_406, %add3A_411 : vector<16xi32>
      %select_n3A_413 = arith.select %lt3A_409, %add3A_412, %broadcast_in_dim3A_406 : vector<16xi1>, vector<16xi32>
      %broadcast_in_dim3A_414 = vector.shape_cast %select_n3A_413 : vector<16xi32> to vector<16x1xi32>
      %gather3A_415 = vector.shape_cast %broadcast_in_dim3A_414 : vector<16x1xi32> to vector<16xi32>
      %gather3A_416 = tpu.dynamic_gather %get3A_159[%gather3A_415] in [0] : vector<16xf32>, vector<16xi32> -> vector<16xf32>
      %mul3A_417 = arith.mulf %gather3A_403, %gather3A_404 : vector<16xf32>
      %mul3A_418 = arith.mulf %mul3A_417, %gather3A_416 : vector<16xf32>
      %add3A_419 = arith.addf %add3A_400, %mul3A_418 : vector<16xf32>
      %broadcast_in_dim3A_420 = arith.constant 13 : i32
      %broadcast_in_dim3A_421 = vector.broadcast %broadcast_in_dim3A_420 : i32 to vector<16xi32>
      %gather3A_422 = tpu.vector_load_idx %arg11[%add3A_174, %broadcast_in_dim3A_421] : memref<512x32xf32, #tpu.memory_space<vmem>>[vector<16xi32>, vector<16xi32>], vector<16xf32>,
      %gather3A_423 = tpu.vector_load_idx %arg12[%add3A_174, %broadcast_in_dim3A_421] : memref<512x32xf32, #tpu.memory_space<vmem>>[vector<16xi32>, vector<16xi32>], vector<16xf32>,
      %broadcast_in_dim3A_424 = arith.constant 13 : i32
      %broadcast_in_dim3A_425 = vector.broadcast %broadcast_in_dim3A_424 : i32 to vector<16xi32>
      %lt3A_426 = arith.constant 0 : i32
      %lt3A_427 = vector.broadcast %lt3A_426 : i32 to vector<16xi32>
      %lt3A_428 = arith.cmpi slt, %broadcast_in_dim3A_425, %lt3A_427 : vector<16xi32>
      %add3A_429 = arith.constant 16 : i32
      %add3A_430 = vector.broadcast %add3A_429 : i32 to vector<16xi32>
      %add3A_431 = arith.addi %broadcast_in_dim3A_425, %add3A_430 : vector<16xi32>
      %select_n3A_432 = arith.select %lt3A_428, %add3A_431, %broadcast_in_dim3A_425 : vector<16xi1>, vector<16xi32>
      %broadcast_in_dim3A_433 = vector.shape_cast %select_n3A_432 : vector<16xi32> to vector<16x1xi32>
      %gather3A_434 = vector.shape_cast %broadcast_in_dim3A_433 : vector<16x1xi32> to vector<16xi32>
      %gather3A_435 = tpu.dynamic_gather %get3A_159[%gather3A_434] in [0] : vector<16xf32>, vector<16xi32> -> vector<16xf32>
      %mul3A_436 = arith.mulf %gather3A_422, %gather3A_423 : vector<16xf32>
      %mul3A_437 = arith.mulf %mul3A_436, %gather3A_435 : vector<16xf32>
      %add3A_438 = arith.addf %add3A_419, %mul3A_437 : vector<16xf32>
      %broadcast_in_dim3A_439 = arith.constant 14 : i32
      %broadcast_in_dim3A_440 = vector.broadcast %broadcast_in_dim3A_439 : i32 to vector<16xi32>
      %gather3A_441 = tpu.vector_load_idx %arg11[%add3A_174, %broadcast_in_dim3A_440] : memref<512x32xf32, #tpu.memory_space<vmem>>[vector<16xi32>, vector<16xi32>], vector<16xf32>,
      %gather3A_442 = tpu.vector_load_idx %arg12[%add3A_174, %broadcast_in_dim3A_440] : memref<512x32xf32, #tpu.memory_space<vmem>>[vector<16xi32>, vector<16xi32>], vector<16xf32>,
      %broadcast_in_dim3A_443 = arith.constant 14 : i32
      %broadcast_in_dim3A_444 = vector.broadcast %broadcast_in_dim3A_443 : i32 to vector<16xi32>
      %lt3A_445 = arith.constant 0 : i32
      %lt3A_446 = vector.broadcast %lt3A_445 : i32 to vector<16xi32>
      %lt3A_447 = arith.cmpi slt, %broadcast_in_dim3A_444, %lt3A_446 : vector<16xi32>
      %add3A_448 = arith.constant 16 : i32
      %add3A_449 = vector.broadcast %add3A_448 : i32 to vector<16xi32>
      %add3A_450 = arith.addi %broadcast_in_dim3A_444, %add3A_449 : vector<16xi32>
      %select_n3A_451 = arith.select %lt3A_447, %add3A_450, %broadcast_in_dim3A_444 : vector<16xi1>, vector<16xi32>
      %broadcast_in_dim3A_452 = vector.shape_cast %select_n3A_451 : vector<16xi32> to vector<16x1xi32>
      %gather3A_453 = vector.shape_cast %broadcast_in_dim3A_452 : vector<16x1xi32> to vector<16xi32>
      %gather3A_454 = tpu.dynamic_gather %get3A_159[%gather3A_453] in [0] : vector<16xf32>, vector<16xi32> -> vector<16xf32>
      %mul3A_455 = arith.mulf %gather3A_441, %gather3A_442 : vector<16xf32>
      %mul3A_456 = arith.mulf %mul3A_455, %gather3A_454 : vector<16xf32>
      %add3A_457 = arith.addf %add3A_438, %mul3A_456 : vector<16xf32>
      %broadcast_in_dim3A_458 = arith.constant 15 : i32
      %broadcast_in_dim3A_459 = vector.broadcast %broadcast_in_dim3A_458 : i32 to vector<16xi32>
      %gather3A_460 = tpu.vector_load_idx %arg11[%add3A_174, %broadcast_in_dim3A_459] : memref<512x32xf32, #tpu.memory_space<vmem>>[vector<16xi32>, vector<16xi32>], vector<16xf32>,
      %gather3A_461 = tpu.vector_load_idx %arg12[%add3A_174, %broadcast_in_dim3A_459] : memref<512x32xf32, #tpu.memory_space<vmem>>[vector<16xi32>, vector<16xi32>], vector<16xf32>,
      %broadcast_in_dim3A_462 = arith.constant 15 : i32
      %broadcast_in_dim3A_463 = vector.broadcast %broadcast_in_dim3A_462 : i32 to vector<16xi32>
      %lt3A_464 = arith.constant 0 : i32
      %lt3A_465 = vector.broadcast %lt3A_464 : i32 to vector<16xi32>
      %lt3A_466 = arith.cmpi slt, %broadcast_in_dim3A_463, %lt3A_465 : vector<16xi32>
      %add3A_467 = arith.constant 16 : i32
      %add3A_468 = vector.broadcast %add3A_467 : i32 to vector<16xi32>
      %add3A_469 = arith.addi %broadcast_in_dim3A_463, %add3A_468 : vector<16xi32>
      %select_n3A_470 = arith.select %lt3A_466, %add3A_469, %broadcast_in_dim3A_463 : vector<16xi1>, vector<16xi32>
      %broadcast_in_dim3A_471 = vector.shape_cast %select_n3A_470 : vector<16xi32> to vector<16x1xi32>
      %gather3A_472 = vector.shape_cast %broadcast_in_dim3A_471 : vector<16x1xi32> to vector<16xi32>
      %gather3A_473 = tpu.dynamic_gather %get3A_159[%gather3A_472] in [0] : vector<16xf32>, vector<16xi32> -> vector<16xf32>
      %mul3A_474 = arith.mulf %gather3A_460, %gather3A_461 : vector<16xf32>
      %mul3A_475 = arith.mulf %mul3A_474, %gather3A_473 : vector<16xf32>
      %add3A_476 = arith.addf %add3A_457, %mul3A_475 : vector<16xf32>
      %broadcast_in_dim3A_477 = arith.constant 16 : i32
      %broadcast_in_dim3A_478 = vector.broadcast %broadcast_in_dim3A_477 : i32 to vector<16xi32>
      %gather3A_479 = tpu.vector_load_idx %arg11[%add3A_174, %broadcast_in_dim3A_478] : memref<512x32xf32, #tpu.memory_space<vmem>>[vector<16xi32>, vector<16xi32>], vector<16xf32>,
      %gather3A_480 = tpu.vector_load_idx %arg12[%add3A_174, %broadcast_in_dim3A_478] : memref<512x32xf32, #tpu.memory_space<vmem>>[vector<16xi32>, vector<16xi32>], vector<16xf32>,
      %broadcast_in_dim3A_481 = arith.constant 0 : i32
      %broadcast_in_dim3A_482 = vector.broadcast %broadcast_in_dim3A_481 : i32 to vector<16xi32>
      %lt3A_483 = arith.constant 0 : i32
      %lt3A_484 = vector.broadcast %lt3A_483 : i32 to vector<16xi32>
      %lt3A_485 = arith.cmpi slt, %broadcast_in_dim3A_482, %lt3A_484 : vector<16xi32>
      %add3A_486 = arith.constant 16 : i32
      %add3A_487 = vector.broadcast %add3A_486 : i32 to vector<16xi32>
      %add3A_488 = arith.addi %broadcast_in_dim3A_482, %add3A_487 : vector<16xi32>
      %select_n3A_489 = arith.select %lt3A_485, %add3A_488, %broadcast_in_dim3A_482 : vector<16xi1>, vector<16xi32>
      %broadcast_in_dim3A_490 = vector.shape_cast %select_n3A_489 : vector<16xi32> to vector<16x1xi32>
      %gather3A_491 = vector.shape_cast %broadcast_in_dim3A_490 : vector<16x1xi32> to vector<16xi32>
      %gather3A_492 = tpu.dynamic_gather %get3A_161[%gather3A_491] in [0] : vector<16xf32>, vector<16xi32> -> vector<16xf32>
      %mul3A_493 = arith.mulf %gather3A_479, %gather3A_480 : vector<16xf32>
      %mul3A_494 = arith.mulf %mul3A_493, %gather3A_492 : vector<16xf32>
      %add3A_495 = arith.addf %add3A_476, %mul3A_494 : vector<16xf32>
      %broadcast_in_dim3A_496 = arith.constant 17 : i32
      %broadcast_in_dim3A_497 = vector.broadcast %broadcast_in_dim3A_496 : i32 to vector<16xi32>
      %gather3A_498 = tpu.vector_load_idx %arg11[%add3A_174, %broadcast_in_dim3A_497] : memref<512x32xf32, #tpu.memory_space<vmem>>[vector<16xi32>, vector<16xi32>], vector<16xf32>,
      %gather3A_499 = tpu.vector_load_idx %arg12[%add3A_174, %broadcast_in_dim3A_497] : memref<512x32xf32, #tpu.memory_space<vmem>>[vector<16xi32>, vector<16xi32>], vector<16xf32>,
      %broadcast_in_dim3A_500 = arith.constant 1 : i32
      %broadcast_in_dim3A_501 = vector.broadcast %broadcast_in_dim3A_500 : i32 to vector<16xi32>
      %lt3A_502 = arith.constant 0 : i32
      %lt3A_503 = vector.broadcast %lt3A_502 : i32 to vector<16xi32>
      %lt3A_504 = arith.cmpi slt, %broadcast_in_dim3A_501, %lt3A_503 : vector<16xi32>
      %add3A_505 = arith.constant 16 : i32
      %add3A_506 = vector.broadcast %add3A_505 : i32 to vector<16xi32>
      %add3A_507 = arith.addi %broadcast_in_dim3A_501, %add3A_506 : vector<16xi32>
      %select_n3A_508 = arith.select %lt3A_504, %add3A_507, %broadcast_in_dim3A_501 : vector<16xi1>, vector<16xi32>
      %broadcast_in_dim3A_509 = vector.shape_cast %select_n3A_508 : vector<16xi32> to vector<16x1xi32>
      %gather3A_510 = vector.shape_cast %broadcast_in_dim3A_509 : vector<16x1xi32> to vector<16xi32>
      %gather3A_511 = tpu.dynamic_gather %get3A_161[%gather3A_510] in [0] : vector<16xf32>, vector<16xi32> -> vector<16xf32>
      %mul3A_512 = arith.mulf %gather3A_498, %gather3A_499 : vector<16xf32>
      %mul3A_513 = arith.mulf %mul3A_512, %gather3A_511 : vector<16xf32>
      %add3A_514 = arith.addf %add3A_495, %mul3A_513 : vector<16xf32>
      %broadcast_in_dim3A_515 = arith.constant 18 : i32
      %broadcast_in_dim3A_516 = vector.broadcast %broadcast_in_dim3A_515 : i32 to vector<16xi32>
      %gather3A_517 = tpu.vector_load_idx %arg11[%add3A_174, %broadcast_in_dim3A_516] : memref<512x32xf32, #tpu.memory_space<vmem>>[vector<16xi32>, vector<16xi32>], vector<16xf32>,
      %gather3A_518 = tpu.vector_load_idx %arg12[%add3A_174, %broadcast_in_dim3A_516] : memref<512x32xf32, #tpu.memory_space<vmem>>[vector<16xi32>, vector<16xi32>], vector<16xf32>,
      %broadcast_in_dim3A_519 = arith.constant 2 : i32
      %broadcast_in_dim3A_520 = vector.broadcast %broadcast_in_dim3A_519 : i32 to vector<16xi32>
      %lt3A_521 = arith.constant 0 : i32
      %lt3A_522 = vector.broadcast %lt3A_521 : i32 to vector<16xi32>
      %lt3A_523 = arith.cmpi slt, %broadcast_in_dim3A_520, %lt3A_522 : vector<16xi32>
      %add3A_524 = arith.constant 16 : i32
      %add3A_525 = vector.broadcast %add3A_524 : i32 to vector<16xi32>
      %add3A_526 = arith.addi %broadcast_in_dim3A_520, %add3A_525 : vector<16xi32>
      %select_n3A_527 = arith.select %lt3A_523, %add3A_526, %broadcast_in_dim3A_520 : vector<16xi1>, vector<16xi32>
      %broadcast_in_dim3A_528 = vector.shape_cast %select_n3A_527 : vector<16xi32> to vector<16x1xi32>
      %gather3A_529 = vector.shape_cast %broadcast_in_dim3A_528 : vector<16x1xi32> to vector<16xi32>
      %gather3A_530 = tpu.dynamic_gather %get3A_161[%gather3A_529] in [0] : vector<16xf32>, vector<16xi32> -> vector<16xf32>
      %mul3A_531 = arith.mulf %gather3A_517, %gather3A_518 : vector<16xf32>
      %mul3A_532 = arith.mulf %mul3A_531, %gather3A_530 : vector<16xf32>
      %add3A_533 = arith.addf %add3A_514, %mul3A_532 : vector<16xf32>
      %broadcast_in_dim3A_534 = arith.constant 19 : i32
      %broadcast_in_dim3A_535 = vector.broadcast %broadcast_in_dim3A_534 : i32 to vector<16xi32>
      %gather3A_536 = tpu.vector_load_idx %arg11[%add3A_174, %broadcast_in_dim3A_535] : memref<512x32xf32, #tpu.memory_space<vmem>>[vector<16xi32>, vector<16xi32>], vector<16xf32>,
      %gather3A_537 = tpu.vector_load_idx %arg12[%add3A_174, %broadcast_in_dim3A_535] : memref<512x32xf32, #tpu.memory_space<vmem>>[vector<16xi32>, vector<16xi32>], vector<16xf32>,
      %broadcast_in_dim3A_538 = arith.constant 3 : i32
      %broadcast_in_dim3A_539 = vector.broadcast %broadcast_in_dim3A_538 : i32 to vector<16xi32>
      %lt3A_540 = arith.constant 0 : i32
      %lt3A_541 = vector.broadcast %lt3A_540 : i32 to vector<16xi32>
      %lt3A_542 = arith.cmpi slt, %broadcast_in_dim3A_539, %lt3A_541 : vector<16xi32>
      %add3A_543 = arith.constant 16 : i32
      %add3A_544 = vector.broadcast %add3A_543 : i32 to vector<16xi32>
      %add3A_545 = arith.addi %broadcast_in_dim3A_539, %add3A_544 : vector<16xi32>
      %select_n3A_546 = arith.select %lt3A_542, %add3A_545, %broadcast_in_dim3A_539 : vector<16xi1>, vector<16xi32>
      %broadcast_in_dim3A_547 = vector.shape_cast %select_n3A_546 : vector<16xi32> to vector<16x1xi32>
      %gather3A_548 = vector.shape_cast %broadcast_in_dim3A_547 : vector<16x1xi32> to vector<16xi32>
      %gather3A_549 = tpu.dynamic_gather %get3A_161[%gather3A_548] in [0] : vector<16xf32>, vector<16xi32> -> vector<16xf32>
      %mul3A_550 = arith.mulf %gather3A_536, %gather3A_537 : vector<16xf32>
      %mul3A_551 = arith.mulf %mul3A_550, %gather3A_549 : vector<16xf32>
      %add3A_552 = arith.addf %add3A_533, %mul3A_551 : vector<16xf32>
      %broadcast_in_dim3A_553 = arith.constant 20 : i32
      %broadcast_in_dim3A_554 = vector.broadcast %broadcast_in_dim3A_553 : i32 to vector<16xi32>
      %gather3A_555 = tpu.vector_load_idx %arg11[%add3A_174, %broadcast_in_dim3A_554] : memref<512x32xf32, #tpu.memory_space<vmem>>[vector<16xi32>, vector<16xi32>], vector<16xf32>,
      %gather3A_556 = tpu.vector_load_idx %arg12[%add3A_174, %broadcast_in_dim3A_554] : memref<512x32xf32, #tpu.memory_space<vmem>>[vector<16xi32>, vector<16xi32>], vector<16xf32>,
      %broadcast_in_dim3A_557 = arith.constant 4 : i32
      %broadcast_in_dim3A_558 = vector.broadcast %broadcast_in_dim3A_557 : i32 to vector<16xi32>
      %lt3A_559 = arith.constant 0 : i32
      %lt3A_560 = vector.broadcast %lt3A_559 : i32 to vector<16xi32>
      %lt3A_561 = arith.cmpi slt, %broadcast_in_dim3A_558, %lt3A_560 : vector<16xi32>
      %add3A_562 = arith.constant 16 : i32
      %add3A_563 = vector.broadcast %add3A_562 : i32 to vector<16xi32>
      %add3A_564 = arith.addi %broadcast_in_dim3A_558, %add3A_563 : vector<16xi32>
      %select_n3A_565 = arith.select %lt3A_561, %add3A_564, %broadcast_in_dim3A_558 : vector<16xi1>, vector<16xi32>
      %broadcast_in_dim3A_566 = vector.shape_cast %select_n3A_565 : vector<16xi32> to vector<16x1xi32>
      %gather3A_567 = vector.shape_cast %broadcast_in_dim3A_566 : vector<16x1xi32> to vector<16xi32>
      %gather3A_568 = tpu.dynamic_gather %get3A_161[%gather3A_567] in [0] : vector<16xf32>, vector<16xi32> -> vector<16xf32>
      %mul3A_569 = arith.mulf %gather3A_555, %gather3A_556 : vector<16xf32>
      %mul3A_570 = arith.mulf %mul3A_569, %gather3A_568 : vector<16xf32>
      %add3A_571 = arith.addf %add3A_552, %mul3A_570 : vector<16xf32>
      %broadcast_in_dim3A_572 = arith.constant 21 : i32
      %broadcast_in_dim3A_573 = vector.broadcast %broadcast_in_dim3A_572 : i32 to vector<16xi32>
      %gather3A_574 = tpu.vector_load_idx %arg11[%add3A_174, %broadcast_in_dim3A_573] : memref<512x32xf32, #tpu.memory_space<vmem>>[vector<16xi32>, vector<16xi32>], vector<16xf32>,
      %gather3A_575 = tpu.vector_load_idx %arg12[%add3A_174, %broadcast_in_dim3A_573] : memref<512x32xf32, #tpu.memory_space<vmem>>[vector<16xi32>, vector<16xi32>], vector<16xf32>,
      %broadcast_in_dim3A_576 = arith.constant 5 : i32
      %broadcast_in_dim3A_577 = vector.broadcast %broadcast_in_dim3A_576 : i32 to vector<16xi32>
      %lt3A_578 = arith.constant 0 : i32
      %lt3A_579 = vector.broadcast %lt3A_578 : i32 to vector<16xi32>
      %lt3A_580 = arith.cmpi slt, %broadcast_in_dim3A_577, %lt3A_579 : vector<16xi32>
      %add3A_581 = arith.constant 16 : i32
      %add3A_582 = vector.broadcast %add3A_581 : i32 to vector<16xi32>
      %add3A_583 = arith.addi %broadcast_in_dim3A_577, %add3A_582 : vector<16xi32>
      %select_n3A_584 = arith.select %lt3A_580, %add3A_583, %broadcast_in_dim3A_577 : vector<16xi1>, vector<16xi32>
      %broadcast_in_dim3A_585 = vector.shape_cast %select_n3A_584 : vector<16xi32> to vector<16x1xi32>
      %gather3A_586 = vector.shape_cast %broadcast_in_dim3A_585 : vector<16x1xi32> to vector<16xi32>
      %gather3A_587 = tpu.dynamic_gather %get3A_161[%gather3A_586] in [0] : vector<16xf32>, vector<16xi32> -> vector<16xf32>
      %mul3A_588 = arith.mulf %gather3A_574, %gather3A_575 : vector<16xf32>
      %mul3A_589 = arith.mulf %mul3A_588, %gather3A_587 : vector<16xf32>
      %add3A_590 = arith.addf %add3A_571, %mul3A_589 : vector<16xf32>
      %broadcast_in_dim3A_591 = arith.constant 22 : i32
      %broadcast_in_dim3A_592 = vector.broadcast %broadcast_in_dim3A_591 : i32 to vector<16xi32>
      %gather3A_593 = tpu.vector_load_idx %arg11[%add3A_174, %broadcast_in_dim3A_592] : memref<512x32xf32, #tpu.memory_space<vmem>>[vector<16xi32>, vector<16xi32>], vector<16xf32>,
      %gather3A_594 = tpu.vector_load_idx %arg12[%add3A_174, %broadcast_in_dim3A_592] : memref<512x32xf32, #tpu.memory_space<vmem>>[vector<16xi32>, vector<16xi32>], vector<16xf32>,
      %broadcast_in_dim3A_595 = arith.constant 6 : i32
      %broadcast_in_dim3A_596 = vector.broadcast %broadcast_in_dim3A_595 : i32 to vector<16xi32>
      %lt3A_597 = arith.constant 0 : i32
      %lt3A_598 = vector.broadcast %lt3A_597 : i32 to vector<16xi32>
      %lt3A_599 = arith.cmpi slt, %broadcast_in_dim3A_596, %lt3A_598 : vector<16xi32>
      %add3A_600 = arith.constant 16 : i32
      %add3A_601 = vector.broadcast %add3A_600 : i32 to vector<16xi32>
      %add3A_602 = arith.addi %broadcast_in_dim3A_596, %add3A_601 : vector<16xi32>
      %select_n3A_603 = arith.select %lt3A_599, %add3A_602, %broadcast_in_dim3A_596 : vector<16xi1>, vector<16xi32>
      %broadcast_in_dim3A_604 = vector.shape_cast %select_n3A_603 : vector<16xi32> to vector<16x1xi32>
      %gather3A_605 = vector.shape_cast %broadcast_in_dim3A_604 : vector<16x1xi32> to vector<16xi32>
      %gather3A_606 = tpu.dynamic_gather %get3A_161[%gather3A_605] in [0] : vector<16xf32>, vector<16xi32> -> vector<16xf32>
      %mul3A_607 = arith.mulf %gather3A_593, %gather3A_594 : vector<16xf32>
      %mul3A_608 = arith.mulf %mul3A_607, %gather3A_606 : vector<16xf32>
      %add3A_609 = arith.addf %add3A_590, %mul3A_608 : vector<16xf32>
      %broadcast_in_dim3A_610 = arith.constant 23 : i32
      %broadcast_in_dim3A_611 = vector.broadcast %broadcast_in_dim3A_610 : i32 to vector<16xi32>
      %gather3A_612 = tpu.vector_load_idx %arg11[%add3A_174, %broadcast_in_dim3A_611] : memref<512x32xf32, #tpu.memory_space<vmem>>[vector<16xi32>, vector<16xi32>], vector<16xf32>,
      %gather3A_613 = tpu.vector_load_idx %arg12[%add3A_174, %broadcast_in_dim3A_611] : memref<512x32xf32, #tpu.memory_space<vmem>>[vector<16xi32>, vector<16xi32>], vector<16xf32>,
      %broadcast_in_dim3A_614 = arith.constant 7 : i32
      %broadcast_in_dim3A_615 = vector.broadcast %broadcast_in_dim3A_614 : i32 to vector<16xi32>
      %lt3A_616 = arith.constant 0 : i32
      %lt3A_617 = vector.broadcast %lt3A_616 : i32 to vector<16xi32>
      %lt3A_618 = arith.cmpi slt, %broadcast_in_dim3A_615, %lt3A_617 : vector<16xi32>
      %add3A_619 = arith.constant 16 : i32
      %add3A_620 = vector.broadcast %add3A_619 : i32 to vector<16xi32>
      %add3A_621 = arith.addi %broadcast_in_dim3A_615, %add3A_620 : vector<16xi32>
      %select_n3A_622 = arith.select %lt3A_618, %add3A_621, %broadcast_in_dim3A_615 : vector<16xi1>, vector<16xi32>
      %broadcast_in_dim3A_623 = vector.shape_cast %select_n3A_622 : vector<16xi32> to vector<16x1xi32>
      %gather3A_624 = vector.shape_cast %broadcast_in_dim3A_623 : vector<16x1xi32> to vector<16xi32>
      %gather3A_625 = tpu.dynamic_gather %get3A_161[%gather3A_624] in [0] : vector<16xf32>, vector<16xi32> -> vector<16xf32>
      %mul3A_626 = arith.mulf %gather3A_612, %gather3A_613 : vector<16xf32>
      %mul3A_627 = arith.mulf %mul3A_626, %gather3A_625 : vector<16xf32>
      %add3A_628 = arith.addf %add3A_609, %mul3A_627 : vector<16xf32>
      %broadcast_in_dim3A_629 = arith.constant 24 : i32
      %broadcast_in_dim3A_630 = vector.broadcast %broadcast_in_dim3A_629 : i32 to vector<16xi32>
      %gather3A_631 = tpu.vector_load_idx %arg11[%add3A_174, %broadcast_in_dim3A_630] : memref<512x32xf32, #tpu.memory_space<vmem>>[vector<16xi32>, vector<16xi32>], vector<16xf32>,
      %gather3A_632 = tpu.vector_load_idx %arg12[%add3A_174, %broadcast_in_dim3A_630] : memref<512x32xf32, #tpu.memory_space<vmem>>[vector<16xi32>, vector<16xi32>], vector<16xf32>,
      %broadcast_in_dim3A_633 = arith.constant 8 : i32
      %broadcast_in_dim3A_634 = vector.broadcast %broadcast_in_dim3A_633 : i32 to vector<16xi32>
      %lt3A_635 = arith.constant 0 : i32
      %lt3A_636 = vector.broadcast %lt3A_635 : i32 to vector<16xi32>
      %lt3A_637 = arith.cmpi slt, %broadcast_in_dim3A_634, %lt3A_636 : vector<16xi32>
      %add3A_638 = arith.constant 16 : i32
      %add3A_639 = vector.broadcast %add3A_638 : i32 to vector<16xi32>
      %add3A_640 = arith.addi %broadcast_in_dim3A_634, %add3A_639 : vector<16xi32>
      %select_n3A_641 = arith.select %lt3A_637, %add3A_640, %broadcast_in_dim3A_634 : vector<16xi1>, vector<16xi32>
      %broadcast_in_dim3A_642 = vector.shape_cast %select_n3A_641 : vector<16xi32> to vector<16x1xi32>
      %gather3A_643 = vector.shape_cast %broadcast_in_dim3A_642 : vector<16x1xi32> to vector<16xi32>
      %gather3A_644 = tpu.dynamic_gather %get3A_161[%gather3A_643] in [0] : vector<16xf32>, vector<16xi32> -> vector<16xf32>
      %mul3A_645 = arith.mulf %gather3A_631, %gather3A_632 : vector<16xf32>
      %mul3A_646 = arith.mulf %mul3A_645, %gather3A_644 : vector<16xf32>
      %add3A_647 = arith.addf %add3A_628, %mul3A_646 : vector<16xf32>
      %broadcast_in_dim3A_648 = arith.constant 25 : i32
      %broadcast_in_dim3A_649 = vector.broadcast %broadcast_in_dim3A_648 : i32 to vector<16xi32>
      %gather3A_650 = tpu.vector_load_idx %arg11[%add3A_174, %broadcast_in_dim3A_649] : memref<512x32xf32, #tpu.memory_space<vmem>>[vector<16xi32>, vector<16xi32>], vector<16xf32>,
      %gather3A_651 = tpu.vector_load_idx %arg12[%add3A_174, %broadcast_in_dim3A_649] : memref<512x32xf32, #tpu.memory_space<vmem>>[vector<16xi32>, vector<16xi32>], vector<16xf32>,
      %broadcast_in_dim3A_652 = arith.constant 9 : i32
      %broadcast_in_dim3A_653 = vector.broadcast %broadcast_in_dim3A_652 : i32 to vector<16xi32>
      %lt3A_654 = arith.constant 0 : i32
      %lt3A_655 = vector.broadcast %lt3A_654 : i32 to vector<16xi32>
      %lt3A_656 = arith.cmpi slt, %broadcast_in_dim3A_653, %lt3A_655 : vector<16xi32>
      %add3A_657 = arith.constant 16 : i32
      %add3A_658 = vector.broadcast %add3A_657 : i32 to vector<16xi32>
      %add3A_659 = arith.addi %broadcast_in_dim3A_653, %add3A_658 : vector<16xi32>
      %select_n3A_660 = arith.select %lt3A_656, %add3A_659, %broadcast_in_dim3A_653 : vector<16xi1>, vector<16xi32>
      %broadcast_in_dim3A_661 = vector.shape_cast %select_n3A_660 : vector<16xi32> to vector<16x1xi32>
      %gather3A_662 = vector.shape_cast %broadcast_in_dim3A_661 : vector<16x1xi32> to vector<16xi32>
      %gather3A_663 = tpu.dynamic_gather %get3A_161[%gather3A_662] in [0] : vector<16xf32>, vector<16xi32> -> vector<16xf32>
      %mul3A_664 = arith.mulf %gather3A_650, %gather3A_651 : vector<16xf32>
      %mul3A_665 = arith.mulf %mul3A_664, %gather3A_663 : vector<16xf32>
      %add3A_666 = arith.addf %add3A_647, %mul3A_665 : vector<16xf32>
      %broadcast_in_dim3A_667 = arith.constant 26 : i32
      %broadcast_in_dim3A_668 = vector.broadcast %broadcast_in_dim3A_667 : i32 to vector<16xi32>
      %gather3A_669 = tpu.vector_load_idx %arg11[%add3A_174, %broadcast_in_dim3A_668] : memref<512x32xf32, #tpu.memory_space<vmem>>[vector<16xi32>, vector<16xi32>], vector<16xf32>,
      %gather3A_670 = tpu.vector_load_idx %arg12[%add3A_174, %broadcast_in_dim3A_668] : memref<512x32xf32, #tpu.memory_space<vmem>>[vector<16xi32>, vector<16xi32>], vector<16xf32>,
      %broadcast_in_dim3A_671 = arith.constant 10 : i32
      %broadcast_in_dim3A_672 = vector.broadcast %broadcast_in_dim3A_671 : i32 to vector<16xi32>
      %lt3A_673 = arith.constant 0 : i32
      %lt3A_674 = vector.broadcast %lt3A_673 : i32 to vector<16xi32>
      %lt3A_675 = arith.cmpi slt, %broadcast_in_dim3A_672, %lt3A_674 : vector<16xi32>
      %add3A_676 = arith.constant 16 : i32
      %add3A_677 = vector.broadcast %add3A_676 : i32 to vector<16xi32>
      %add3A_678 = arith.addi %broadcast_in_dim3A_672, %add3A_677 : vector<16xi32>
      %select_n3A_679 = arith.select %lt3A_675, %add3A_678, %broadcast_in_dim3A_672 : vector<16xi1>, vector<16xi32>
      %broadcast_in_dim3A_680 = vector.shape_cast %select_n3A_679 : vector<16xi32> to vector<16x1xi32>
      %gather3A_681 = vector.shape_cast %broadcast_in_dim3A_680 : vector<16x1xi32> to vector<16xi32>
      %gather3A_682 = tpu.dynamic_gather %get3A_161[%gather3A_681] in [0] : vector<16xf32>, vector<16xi32> -> vector<16xf32>
      %mul3A_683 = arith.mulf %gather3A_669, %gather3A_670 : vector<16xf32>
      %mul3A_684 = arith.mulf %mul3A_683, %gather3A_682 : vector<16xf32>
      %add3A_685 = arith.addf %add3A_666, %mul3A_684 : vector<16xf32>
      %broadcast_in_dim3A_686 = arith.constant 27 : i32
      %broadcast_in_dim3A_687 = vector.broadcast %broadcast_in_dim3A_686 : i32 to vector<16xi32>
      %gather3A_688 = tpu.vector_load_idx %arg11[%add3A_174, %broadcast_in_dim3A_687] : memref<512x32xf32, #tpu.memory_space<vmem>>[vector<16xi32>, vector<16xi32>], vector<16xf32>,
      %gather3A_689 = tpu.vector_load_idx %arg12[%add3A_174, %broadcast_in_dim3A_687] : memref<512x32xf32, #tpu.memory_space<vmem>>[vector<16xi32>, vector<16xi32>], vector<16xf32>,
      %broadcast_in_dim3A_690 = arith.constant 11 : i32
      %broadcast_in_dim3A_691 = vector.broadcast %broadcast_in_dim3A_690 : i32 to vector<16xi32>
      %lt3A_692 = arith.constant 0 : i32
      %lt3A_693 = vector.broadcast %lt3A_692 : i32 to vector<16xi32>
      %lt3A_694 = arith.cmpi slt, %broadcast_in_dim3A_691, %lt3A_693 : vector<16xi32>
      %add3A_695 = arith.constant 16 : i32
      %add3A_696 = vector.broadcast %add3A_695 : i32 to vector<16xi32>
      %add3A_697 = arith.addi %broadcast_in_dim3A_691, %add3A_696 : vector<16xi32>
      %select_n3A_698 = arith.select %lt3A_694, %add3A_697, %broadcast_in_dim3A_691 : vector<16xi1>, vector<16xi32>
      %broadcast_in_dim3A_699 = vector.shape_cast %select_n3A_698 : vector<16xi32> to vector<16x1xi32>
      %gather3A_700 = vector.shape_cast %broadcast_in_dim3A_699 : vector<16x1xi32> to vector<16xi32>
      %gather3A_701 = tpu.dynamic_gather %get3A_161[%gather3A_700] in [0] : vector<16xf32>, vector<16xi32> -> vector<16xf32>
      %mul3A_702 = arith.mulf %gather3A_688, %gather3A_689 : vector<16xf32>
      %mul3A_703 = arith.mulf %mul3A_702, %gather3A_701 : vector<16xf32>
      %add3A_704 = arith.addf %add3A_685, %mul3A_703 : vector<16xf32>
      %broadcast_in_dim3A_705 = arith.constant 28 : i32
      %broadcast_in_dim3A_706 = vector.broadcast %broadcast_in_dim3A_705 : i32 to vector<16xi32>
      %gather3A_707 = tpu.vector_load_idx %arg11[%add3A_174, %broadcast_in_dim3A_706] : memref<512x32xf32, #tpu.memory_space<vmem>>[vector<16xi32>, vector<16xi32>], vector<16xf32>,
      %gather3A_708 = tpu.vector_load_idx %arg12[%add3A_174, %broadcast_in_dim3A_706] : memref<512x32xf32, #tpu.memory_space<vmem>>[vector<16xi32>, vector<16xi32>], vector<16xf32>,
      %broadcast_in_dim3A_709 = arith.constant 12 : i32
      %broadcast_in_dim3A_710 = vector.broadcast %broadcast_in_dim3A_709 : i32 to vector<16xi32>
      %lt3A_711 = arith.constant 0 : i32
      %lt3A_712 = vector.broadcast %lt3A_711 : i32 to vector<16xi32>
      %lt3A_713 = arith.cmpi slt, %broadcast_in_dim3A_710, %lt3A_712 : vector<16xi32>
      %add3A_714 = arith.constant 16 : i32
      %add3A_715 = vector.broadcast %add3A_714 : i32 to vector<16xi32>
      %add3A_716 = arith.addi %broadcast_in_dim3A_710, %add3A_715 : vector<16xi32>
      %select_n3A_717 = arith.select %lt3A_713, %add3A_716, %broadcast_in_dim3A_710 : vector<16xi1>, vector<16xi32>
      %broadcast_in_dim3A_718 = vector.shape_cast %select_n3A_717 : vector<16xi32> to vector<16x1xi32>
      %gather3A_719 = vector.shape_cast %broadcast_in_dim3A_718 : vector<16x1xi32> to vector<16xi32>
      %gather3A_720 = tpu.dynamic_gather %get3A_161[%gather3A_719] in [0] : vector<16xf32>, vector<16xi32> -> vector<16xf32>
      %mul3A_721 = arith.mulf %gather3A_707, %gather3A_708 : vector<16xf32>
      %mul3A_722 = arith.mulf %mul3A_721, %gather3A_720 : vector<16xf32>
      %add3A_723 = arith.addf %add3A_704, %mul3A_722 : vector<16xf32>
      %broadcast_in_dim3A_724 = arith.constant 29 : i32
      %broadcast_in_dim3A_725 = vector.broadcast %broadcast_in_dim3A_724 : i32 to vector<16xi32>
      %gather3A_726 = tpu.vector_load_idx %arg11[%add3A_174, %broadcast_in_dim3A_725] : memref<512x32xf32, #tpu.memory_space<vmem>>[vector<16xi32>, vector<16xi32>], vector<16xf32>,
      %gather3A_727 = tpu.vector_load_idx %arg12[%add3A_174, %broadcast_in_dim3A_725] : memref<512x32xf32, #tpu.memory_space<vmem>>[vector<16xi32>, vector<16xi32>], vector<16xf32>,
      %broadcast_in_dim3A_728 = arith.constant 13 : i32
      %broadcast_in_dim3A_729 = vector.broadcast %broadcast_in_dim3A_728 : i32 to vector<16xi32>
      %lt3A_730 = arith.constant 0 : i32
      %lt3A_731 = vector.broadcast %lt3A_730 : i32 to vector<16xi32>
      %lt3A_732 = arith.cmpi slt, %broadcast_in_dim3A_729, %lt3A_731 : vector<16xi32>
      %add3A_733 = arith.constant 16 : i32
      %add3A_734 = vector.broadcast %add3A_733 : i32 to vector<16xi32>
      %add3A_735 = arith.addi %broadcast_in_dim3A_729, %add3A_734 : vector<16xi32>
      %select_n3A_736 = arith.select %lt3A_732, %add3A_735, %broadcast_in_dim3A_729 : vector<16xi1>, vector<16xi32>
      %broadcast_in_dim3A_737 = vector.shape_cast %select_n3A_736 : vector<16xi32> to vector<16x1xi32>
      %gather3A_738 = vector.shape_cast %broadcast_in_dim3A_737 : vector<16x1xi32> to vector<16xi32>
      %gather3A_739 = tpu.dynamic_gather %get3A_161[%gather3A_738] in [0] : vector<16xf32>, vector<16xi32> -> vector<16xf32>
      %mul3A_740 = arith.mulf %gather3A_726, %gather3A_727 : vector<16xf32>
      %mul3A_741 = arith.mulf %mul3A_740, %gather3A_739 : vector<16xf32>
      %add3A_742 = arith.addf %add3A_723, %mul3A_741 : vector<16xf32>
      %broadcast_in_dim3A_743 = arith.constant 30 : i32
      %broadcast_in_dim3A_744 = vector.broadcast %broadcast_in_dim3A_743 : i32 to vector<16xi32>
      %gather3A_745 = tpu.vector_load_idx %arg11[%add3A_174, %broadcast_in_dim3A_744] : memref<512x32xf32, #tpu.memory_space<vmem>>[vector<16xi32>, vector<16xi32>], vector<16xf32>,
      %gather3A_746 = tpu.vector_load_idx %arg12[%add3A_174, %broadcast_in_dim3A_744] : memref<512x32xf32, #tpu.memory_space<vmem>>[vector<16xi32>, vector<16xi32>], vector<16xf32>,
      %broadcast_in_dim3A_747 = arith.constant 14 : i32
      %broadcast_in_dim3A_748 = vector.broadcast %broadcast_in_dim3A_747 : i32 to vector<16xi32>
      %lt3A_749 = arith.constant 0 : i32
      %lt3A_750 = vector.broadcast %lt3A_749 : i32 to vector<16xi32>
      %lt3A_751 = arith.cmpi slt, %broadcast_in_dim3A_748, %lt3A_750 : vector<16xi32>
      %add3A_752 = arith.constant 16 : i32
      %add3A_753 = vector.broadcast %add3A_752 : i32 to vector<16xi32>
      %add3A_754 = arith.addi %broadcast_in_dim3A_748, %add3A_753 : vector<16xi32>
      %select_n3A_755 = arith.select %lt3A_751, %add3A_754, %broadcast_in_dim3A_748 : vector<16xi1>, vector<16xi32>
      %broadcast_in_dim3A_756 = vector.shape_cast %select_n3A_755 : vector<16xi32> to vector<16x1xi32>
      %gather3A_757 = vector.shape_cast %broadcast_in_dim3A_756 : vector<16x1xi32> to vector<16xi32>
      %gather3A_758 = tpu.dynamic_gather %get3A_161[%gather3A_757] in [0] : vector<16xf32>, vector<16xi32> -> vector<16xf32>
      %mul3A_759 = arith.mulf %gather3A_745, %gather3A_746 : vector<16xf32>
      %mul3A_760 = arith.mulf %mul3A_759, %gather3A_758 : vector<16xf32>
      %add3A_761 = arith.addf %add3A_742, %mul3A_760 : vector<16xf32>
      %broadcast_in_dim3A_762 = arith.constant 31 : i32
      %broadcast_in_dim3A_763 = vector.broadcast %broadcast_in_dim3A_762 : i32 to vector<16xi32>
      %gather3A_764 = tpu.vector_load_idx %arg11[%add3A_174, %broadcast_in_dim3A_763] : memref<512x32xf32, #tpu.memory_space<vmem>>[vector<16xi32>, vector<16xi32>], vector<16xf32>,
      %gather3A_765 = tpu.vector_load_idx %arg12[%add3A_174, %broadcast_in_dim3A_763] : memref<512x32xf32, #tpu.memory_space<vmem>>[vector<16xi32>, vector<16xi32>], vector<16xf32>,
      %broadcast_in_dim3A_766 = arith.constant 15 : i32
      %broadcast_in_dim3A_767 = vector.broadcast %broadcast_in_dim3A_766 : i32 to vector<16xi32>
      %lt3A_768 = arith.constant 0 : i32
      %lt3A_769 = vector.broadcast %lt3A_768 : i32 to vector<16xi32>
      %lt3A_770 = arith.cmpi slt, %broadcast_in_dim3A_767, %lt3A_769 : vector<16xi32>
      %add3A_771 = arith.constant 16 : i32
      %add3A_772 = vector.broadcast %add3A_771 : i32 to vector<16xi32>
      %add3A_773 = arith.addi %broadcast_in_dim3A_767, %add3A_772 : vector<16xi32>
      %select_n3A_774 = arith.select %lt3A_770, %add3A_773, %broadcast_in_dim3A_767 : vector<16xi1>, vector<16xi32>
      %broadcast_in_dim3A_775 = vector.shape_cast %select_n3A_774 : vector<16xi32> to vector<16x1xi32>
      %gather3A_776 = vector.shape_cast %broadcast_in_dim3A_775 : vector<16x1xi32> to vector<16xi32>
      %gather3A_777 = tpu.dynamic_gather %get3A_161[%gather3A_776] in [0] : vector<16xf32>, vector<16xi32> -> vector<16xf32>
      %mul3A_778 = arith.mulf %gather3A_764, %gather3A_765 : vector<16xf32>
      %mul3A_779 = arith.mulf %mul3A_778, %gather3A_777 : vector<16xf32>
      %add3A_780 = arith.addf %add3A_761, %mul3A_779 : vector<16xf32>
      %add3A_781 = arith.addf %add3A_780, %get3A_163 : vector<16xf32>
      %neg3A = arith.constant 0.000000e+00 : f32
      %neg3A_782 = vector.broadcast %neg3A : f32 to vector<16xf32>
      %neg3A_783 = arith.subf %neg3A_782, %add3A_781 : vector<16xf32>
      %exp3A = math.exp %neg3A_783 : vector<16xf32>
      %add3A_784 = arith.constant 1.000000e+00 : f32
      %add3A_785 = vector.broadcast %add3A_784 : f32 to vector<16xf32>
      %add3A_786 = arith.addf %add3A_785, %exp3A : vector<16xf32>
      %div3A = arith.constant 1.000000e+00 : f32
      %div3A_787 = vector.broadcast %div3A : f32 to vector<16xf32>
      %div3A_788 = arith.divf %div3A_787, %add3A_786 : vector<16xf32>
      %mul3A_789 = arith.constant 16 : i32
      %mul3A_790 = arith.muli %scan3A_170, %mul3A_789 : i32
      %swap3A = arith.index_cast %mul3A_790 : i32 to index
      %swap3A_791 = tpu.vector_load %arg15[%swap3A] {strides = array<i32>} : memref<512xf32, #tpu.memory_space<vmem>>, vector<16xf32>,
      tpu.vector_store %arg15[%swap3A], %div3A_788 {strides = array<i32>} : memref<512xf32, #tpu.memory_space<vmem>>, vector<16xf32>,
    }
    %scan3A_167 = arith.constant 32 : i32
    %mul3A_168 = arith.constant 512 : i32
    %mul3A_169 = arith.muli %add3A, %mul3A_168 : i32
    "tpu.region"() ({
      %run_scoped3A = tpu.sem_alloc : memref<!tpu.dma_semaphore, #tpu.memory_space<semaphore_mem>>
      %dma_start3A_170 = tpu.memref_slice %arg8[%mul3A_169] : memref<16384xf32, #tpu.memory_space<hbm>> -> memref<512xf32, #tpu.memory_space<hbm>>
      %dma_start3A_171 = tpu.memref_slice %arg8[%mul3A_169] : memref<16384xf32, #tpu.memory_space<hbm>> -> memref<512xf32, #tpu.memory_space<hbm>>
      tpu.enqueue_dma source(%arg15 : memref<512xf32, #tpu.memory_space<vmem>>) target(%dma_start3A_171 : memref<512xf32, #tpu.memory_space<hbm>>) target_semaphore(%run_scoped3A : memref<!tpu.dma_semaphore, #tpu.memory_space<semaphore_mem>>)
      %dma_wait3A_172 = tpu.memref_slice %arg8[%mul3A_169] : memref<16384xf32, #tpu.memory_space<hbm>> -> memref<512xf32, #tpu.memory_space<hbm>>
      %dma_wait3A_173 = tpu.memref_slice %arg8[%mul3A_169] : memref<16384xf32, #tpu.memory_space<hbm>> -> memref<512xf32, #tpu.memory_space<hbm>>
      tpu.wait_dma2 semaphore(%run_scoped3A : memref<!tpu.dma_semaphore, #tpu.memory_space<semaphore_mem>>) src(%arg15 : memref<512xf32, #tpu.memory_space<vmem>>) dst(%dma_wait3A_173 : memref<512xf32, #tpu.memory_space<hbm>>)
      tpu.yield
    }) : () -> ()
    return
  }
}

</mosaic_0001>

<sc_bundles>
// kernel: kernel.3.cloned.1.call-start
scs
__scs_entry_jumppad:
0x0: {  	(pc) =	sbr.rel $0x88, $3  }
0x1: {  	(tag) =	ssettag $0x0;
	lr =	simm.s32 $0x1  }
0x2: {  	[smem:$0x3F9B] =	sst lr;
	_ =	strace $0xD0000000  }
0x3: {  	_ = 	snop  }
0x4: {  	_ = 	snop  }
0x5: {  	_ = 	snop  }
0x6: {  	_ = 	snop  }
0x7: {  	_ = 	snop  }
__scs_overlays_trampoline_lowered:
0x8: {  	[smem:$0x3FAA] =	sst s0  }
0x9: {  	[smem:$0x3FAB] =	sst s1  }
0xa: {  	[smem:$0x3FAC] =	sst s2  }
0xb: {  	[smem:$0x3FAD] =	sst s3  }
0xc: {  	[smem:$0x3FAE] =	sst s4  }
0xd: {  	[smem:$0x3FAF] =	sst s5  }
0xe: {  	[smem:$0x3FB0] =	sst s6  }
0xf: {  	[smem:$0x3FB1] =	sst s7  }
0x10: {  	[smem:$0x3FB2] =	sst s8  }
0x11: {  	[smem:$0x3FB3] =	sst s9;
	s0 =	simm.s32 @!p0 $0x0  }
0x12: {  	s1 =	sld [smem:$0x3F99];
	s0 =	simm.s32 @p0 $0x1  }
0x13: {  	[smem:$0x3FB4] =	sst s0;
	s0 =	simm.s32 @!p1 $0x0  }
0x14: {  	s2 =	sld [smem:$0x3F98];
	s0 =	simm.s32 @p1 $0x1  }
0x15: {  	[smem:$0x3FB5] =	sst s0;
	s0 =	simm.s32 @!p2 $0x0  }
0x16: {  	s3 =	sld [smem:$0x3FDB];
	s0 =	simm.s32 @p2 $0x1  }
0x17: {  	s4 =	simm.s32 $0x1BF5;
	[smem:$0x3FB7] =	sst s0  }
0x18: {  	s0 =	sld [smem:$0x3F9A];
	_ =	swait.ge [sflag:s4], $0x0  }
0x19: {  	s7 =	sld [smem:$0x3F9B]  }
0x1a: {  	s8 =	sadd.s32 $0xFFFFE003, lr  }
0x1b: {  	s9 =	sadd.s32 $0xFFFFFEF7, lr;
	s5 =	simm.s32 $0xFFFFFFFF;
	p2 =	slt.u32 s8, $0xFFFFF086  }
0x1c: {  	p1 =	slt.u32 s9, $0xF7A;
	s5 =	simm.s32 @!p2 $0x0  }
0x1d: {  	s5 =	simm.s32 @p1 $0x1;
	p0 =	seq.s32 s7, s2  }
0x1e: {  	s7 =	smul.u32 @!p0 $0xF7A, s2;
	p2 =	seq.s32 @!p0 s5, $0x0  }
0x1f: {  	s9 =	smul.u32 $0xF7A, s1;
	s8 =	simm.s32 @!p0 $0x1BF5;
	p2 =	por !p2, p0  }
0x20: {  	[sflag:s8] =	ssyncset.s32 @!p0 $0xFFFFF086;
	s6 =	sadd.s32 @!p0 s3, s7;
	s7 =	simm.s32 @!p0 $0x108  }
0x21: {  	s3 =	sadd.s32 s3, s9;
	s6 =	sadd.s32 @!p0 $0x88, s6;
	s7 =	simm.s32 @p2 $0x1082  }
0x22: {  	[simem:s7], [sflag:s8] =	dma.local @!p0 [hbm:s6], $0xF7A  }
0x23: {  	s9 =	sor.u32 $0xD0000000, s2;
	s6 =	simm.s32 $0x108;
	_ =	swait.ge @!p0 [sflag:s8], $0x0  }
0x24: {  	s3 =	sadd.s32 $0x88, s3;
	s6 =	simm.s32 @!p1 $0x1082;
	[sflag:s4] =	ssyncset.s32 $0xFFFFF086  }
0x25: {  	[simem:s6], [sflag:s4] =	dma.local [hbm:s3], $0xF7A  }
0x26: {  	[smem:$0x3F9B] =	sst s1;
	(tag) =	ssettag s2;
	_ =	strace s9  }
0x27: {  	s1 =	sld [smem:$0x3FAB]  }
0x28: {  	s2 =	sld [smem:$0x3FAC]  }
0x29: {  	s4 =	sld [smem:$0x3FAE]  }
0x2a: {  	p0 =	seq.s32 s5, $0x0;
	s5 =	sld [smem:$0x3FAF]  }
0x2b: {  	s6 =	sld [smem:$0x3FB0]  }
0x2c: {  	s7 =	sld [smem:$0x3FB1]  }
0x2d: {  	s3 =	simm.s32 $0x108;
	s8 =	sld [smem:$0x3FB2]  }
0x2e: {  	s3 =	simm.s32 @!p0 $0x1082;
	s9 =	sld [smem:$0x3FB3]  }
0x2f: {  	lr =	sadd.s32 s0, s3;
	s0 =	sld [smem:$0x3FAA]  }
0x30: {  	s3 =	sld [smem:$0x3FAD]  }
0x31: {  	[smem:$0x3FB6] =	sst s10  }
0x32: {  	s10 =	sld [smem:$0x3FB4];
	_ =	sdelay $0x3  }
0x33: {  	p0 =	seq.s32 s10, $0x1;
	s10 =	sld [smem:$0x3FB6];
	_ =	sdelay $0x3  }
0x34: {  	[smem:$0x3FB6] =	sst s10  }
0x35: {  	s10 =	sld [smem:$0x3FB5];
	_ =	sdelay $0x3  }
0x36: {  	p1 =	seq.s32 s10, $0x1;
	s10 =	sld [smem:$0x3FB6];
	_ =	sdelay $0x3  }
0x37: {  	[smem:$0x3FB6] =	sst s10  }
0x38: {  	s10 =	sld [smem:$0x3FB7]  }
0x39: {  	_ = 	snop;
	(pc) =	sbr.ind lr, $3  }
0x3a: {  	_ = 	snop  }
0x3b: {  	_ = 	snop  }
0x3c: {  	p2 =	seq.s32 s10, $0x1;
	s10 =	sld [smem:$0x3FB6]  }
0x3d: {  	_ =	shalt  }
0x3e: {  	_ =	shalt  }
0x3f: {  	_ =	shalt  }
0x40: {  	_ =	shalt  }
0x41: {  	_ =	shalt  }
0x42: {  	_ =	shalt  }
0x43: {  	_ =	shalt  }
0x44: {  	_ =	shalt  }
0x45: {  	_ =	shalt  }
0x46: {  	_ =	shalt  }
0x47: {  	_ =	shalt  }
0x48: {  	_ =	shalt  }
0x49: {  	_ =	shalt  }
0x4a: {  	_ =	shalt  }
0x4b: {  	_ =	shalt  }
0x4c: {  	_ =	shalt  }
0x4d: {  	_ =	shalt  }
0x4e: {  	_ =	shalt  }
0x4f: {  	_ =	shalt  }
0x50: {  	_ =	shalt  }
0x51: {  	_ =	shalt  }
0x52: {  	_ =	shalt  }
0x53: {  	_ =	shalt  }
0x54: {  	_ =	shalt  }
0x55: {  	_ =	shalt  }
0x56: {  	_ =	shalt  }
0x57: {  	_ =	shalt  }
0x58: {  	_ =	shalt  }
0x59: {  	_ =	shalt  }
0x5a: {  	_ =	shalt  }
0x5b: {  	_ =	shalt  }
0x5c: {  	_ =	shalt  }
0x5d: {  	_ =	shalt  }
0x5e: {  	_ =	shalt  }
0x5f: {  	_ =	shalt  }
0x60: {  	_ =	shalt  }
0x61: {  	_ =	shalt  }
0x62: {  	_ =	shalt  }
0x63: {  	_ =	shalt  }
0x64: {  	_ =	shalt  }
0x65: {  	_ =	shalt  }
0x66: {  	_ =	shalt  }
0x67: {  	_ =	shalt  }
0x68: {  	_ =	shalt  }
0x69: {  	_ =	shalt  }
0x6a: {  	_ =	shalt  }
0x6b: {  	_ =	shalt  }
0x6c: {  	_ =	shalt  }
0x6d: {  	_ =	shalt  }
0x6e: {  	_ =	shalt  }
0x6f: {  	_ =	shalt  }
0x70: {  	_ =	shalt  }
0x71: {  	_ =	shalt  }
0x72: {  	_ =	shalt  }
0x73: {  	_ =	shalt  }
0x74: {  	_ =	shalt  }
0x75: {  	_ =	shalt  }
0x76: {  	_ =	shalt  }
0x77: {  	_ =	shalt  }
0x78: {  	_ =	shalt  }
0x79: {  	_ =	shalt  }
0x7a: {  	_ =	shalt  }
0x7b: {  	_ =	shalt  }
0x7c: {  	_ =	shalt  }
0x7d: {  	_ =	shalt  }
0x7e: {  	_ =	shalt  }
0x7f: {  	_ =	shalt  }
0x80: {  	_ =	shalt  }
0x81: {  	_ =	shalt  }
0x82: {  	_ =	shalt  }
0x83: {  	_ =	shalt  }
0x84: {  	_ =	shalt  }
0x85: {  	_ =	shalt  }
0x86: {  	_ =	shalt  }
0x87: {  	_ =	shalt  }
.Lfunc_end0:
.L_simem_size_0:
called_computation_lowered:
.L_overlay_start_0:
0x88: {  	s2 =	sld [smem:$0x3FD9]  }
0x89: {  	s3 =	sld [smem:$0x3FFE];
	_ =	sdelay $0x1  }
0x8a: {  	s1 =	srdreg.scid  }
0x8b: {  	s0 =	sand.u32 $0x1, s1  }
0x8c: {  	s17 =	sshll.u32 s0, $0xA;
	s2 =	sadd.s32 s3, s2  }
0x8d: {  	s2 =	sadd.s32 s2, s17  }
0x8e: {  	[smem:$0x3FC2] =	sst s2  }
0x8f: {  	_ = 	snop  }
0x90: {  	s2 =	sld [smem:$0x3FC9]  }
0x91: {  	s18 =	sld [smem:$0x3FC8]  }
0x92: {  	s4 =	sld [smem:$0x3FC5]  }
0x93: {  	s5 =	sld [smem:$0x3FD0];
	(tm) =	ssettm $0x1  }
0x94: {  	s6 =	sld [smem:$0x3FFB];
	_ =	sdelay $0x3  }
0x95: {  	_ =	strace s6  }
0x96: {  	s6 =	sld [smem:$0x3FFC];
	_ =	sdelay $0x3  }
0x97: {  	_ =	strace s6  }
0x98: {  	s6 =	sld [smem:$0x3FFD];
	_ =	sdelay $0x3  }
0x99: {  	_ =	strace s6  }
0x9a: {  	_ =	strace $0x8FFFFFFF  }
0x9b: {  	s19 =	sld [smem:$0x3FDB];
	_ =	sdelay $0x1  }
0x9c: {  	s7 =	simm.s32 $_scs_section_size  }
0x9d: {  	s8 =	simm.s32 $_size__tile_overlayer_lowered;
	s9 =	simm.s32 $_tile_overlayer_lowered  }
0x9e: {  	s22 =	simm.s32 $0x1BFF;
	s21 =	sshll.u32 s9, $0x1;
	s6 =	sadd.s32 s7, s19  }
0x9f: {  	s10 =	simm.s32 $0x0;
	s20 =	sshll.u32 s8, $0x1;
	s8 =	sadd.s32 s21, s6  }
0xa0: {  	[timem:s10], [sflag:s22] =	dma.local [hbm:s8], s20  }
0xa1: {  	_ =	swait.ge [sflag:s22], s20  }
0xa2: {  	s7 =	ssub.s32 $0x0, s20;
	[sflag:s22] =	ssyncset.done $0x0  }
0xa3: {  	[sflag:s22] =	ssyncadd.s32 s7;
	_ =	sdelay $0x1  }
0xa4: {  	s23 =	simm.s32 $0x1B8B  }
0xa5: {  	_ =	swait.ge [sflag:s23], $0x1  }
0xa6: {  	[sflag:s23] =	ssyncset.done $0x0  }
0xa7: {  	s25 =	simm.s32 $0x1B8E;
	s24 =	sld [smem:$0x3FFE];
	[sflag:s23] =	ssyncadd.s32 $0xFFFFFFFF  }
0xa8: {  	s26 =	simm.s32 $execute0_lowered;
	[smem:$0x3FD2] =	sst s25  }
0xa9: {  	s8 =	sshll.u32 s26, $0x1;
	_ =	strace $0x80000046;
	[dreg:$0x1] =	wrdreg $0xFFFFFFFF  }
0xaa: {  	s28 =	simm.s32 $_size_execute0_lowered;
	s6 =	sadd.s32 s6, s8;
	[dreg:$0x0] =	wrdreg $0x0  }
0xab: {  	s8 =	sshll.u32 s28, $0x1;
	[dreg:$0x2] =	wrdreg s6  }
0xac: {  	[dreg:$0x3] =	wrdreg s8  }
0xad: {  	[dreg:$0x4] =	wrdreg $0xC0  }
0xae: {  	_ =	task [dreg:s10], $0x5FFFF  }
0xaf: {  	[dreg:$0x1] =	wrdreg $0xFFFFFFFF  }
0xb0: {  	[dreg:$0x0] =	wrdreg $0x60  }
0xb1: {  	[dreg:$0x2] =	wrdreg s2  }
0xb2: {  	[dreg:$0x3] =	wrdreg s18  }
0xb3: {  	[dreg:$0x4] =	wrdreg s24  }
0xb4: {  	[dreg:$0x5] =	wrdreg s4  }
0xb5: {  	[dreg:$0x6] =	wrdreg s5  }
0xb6: {  	[dreg:$0x7] =	wrdreg $0x9  }
0xb7: {  	_ =	task.clear_ibuf [dreg:s10], $0x8FFFF;
	_ =	strace $0x90000046  }
0xb8: {  	s29 =	simm.s32 $0x9;
	_ =	strace $0x80000048  }
0xb9: {  	_ =	swait.ge [sflag:s29], $0x1  }
0xba: {  	[sflag:s29] =	ssyncadd.s32 $0xFFFFFFFF  }
0xbb: {  	_ =	strace $0x90000048  }
0xbc: {  	_ =	sfence  }
0xbd: {  	s30 =	sld [smem:$0x0];
	_ =	sdelay $0x2  }
0xbe: {  	s31 =	sshll.u32 s1, $0xD;
	s1 =	sshrl.u32 s1, $0x2  }
0xbf: {  	s3 =	sand.u32 $0x4000, s31;
	s1 =	sadd.s32 s1, s30  }
0xc0: {  	s0 =	sor.u32 s3, s0;
	s1 =	sshll.u32 s1, $0x11  }
0xc1: {  	s0 =	sor.u32 s1, s0  }
0xc2: {  	s0 =	sadd.s32 $0x8F2B, s0  }
0xc3: {  	[sflag:s0] =	ssyncadd.remote.s32 $0x1  }
0xc4: {  	_ =	sfence.sel $0xFFFF  }
0xc5: {  	[dreg:$0x0] =	wrdreg $0xFFFFFFFF;
	(pc) =	sbr.abs _section_cstart, $3  }
0xc6: {  	[dreg:$0x1] =	wrdreg $0xFFFFFFFF  }
0xc7: {  	_ =	task.clear_ibuf [dreg:s10], $0x2FFFF;
	_ =	strace $0x9FFFFFFF  }
0xc8: {  	(tm) =	ssettm $0x7FFFFFFF  }
0xc9: {  	_ =	shalt  }
tec
execute0_lowered:
.L_overlay_start_1:
0x0: {  	(tag) =	ssettag $0x1  }
0x1: {  	s0 =	rddreg [dreg:$0x0]  }
0x2: {  	s1 =	rddreg [dreg:$0x1]  }
0x3: {  	s3 =	rddreg [dreg:$0x2]  }
0x4: {  	s9 =	rddreg [dreg:$0x4];
	s2 =	simm.s32 $0x0  }
0x5: {  	s5 =	srdreg.scid;
	s6 =	stileid.u32;
	s12 =	simm.s32 $0x200  }
0x6: {  	s13 =	simm.s32 $0x8400;
	s14 =	simm.s32 $0x8420;
	s15 =	simm.s32 $0x80  }
0x7: {  	s16 =	simm.s32 $0x400;
	s17 =	simm.s32 $0x4400;
	s18 =	simm.s32 $0x1400  }
0x8: {  	s19 =	simm.s32 $0x280;
	s20 =	simm.s32 $0x5400;
	s21 =	simm.s32 $0x100  }
0x9: {  	s22 =	simm.s32 $0x2400;
	s23 =	simm.s32 $0x300;
	s24 =	simm.s32 $0x6400  }
0xa: {  	s25 =	simm.s32 $0x180;
	s28 =	simm.s32 $0x380;
	s29 =	simm.s32 $0x7400  }
0xb: {  	s30 =	simm.s32 $0x1;
	s31 =	simm.s32 $0x8430;
	[smem:$0x7FF] =	sst s2  }
0xc: {  	v0 =	vlaneseq.u32;
	v2 =	vimm.s32 $0x0;
	s4 =	sadd.s32 $0x1313200, s3;
	s5 =	sand.u32 $0x1, s5;
	s6 =	sshll.u32 s6, $0x7  }
0xd: {  	v3 =	vimm.s32 $0x1;
	v4 =	vimm.s32 $0x2;
	v5 =	vimm.s32 $0x3;
	_ =	strace $0x80000047;
	s7 =	ssub.s32 $0x2, s5;
	s8 =	sshll.u32 s5, $0x6  }
0xe: {  	v6 =	vimm.s32 $0x4;
	v7 =	vimm.s32 $0x6;
	v8 =	vimm.s32 $0x7;
	s5 =	sadd.s32 $0xF42800, s3;
	s10 =	sshrl.u32 s7, $0x1;
	s11 =	sor.u32 s8, s6  }
0xf: {  	v9 =	vimm.s32 $0x8;
	v10 =	vimm.s32 $0x9;
	v11 =	vimm.s32 $0xA;
	s6 =	sadd.s32 $0x400, s3;
	s26 =	ssub.s32 s7, s10;
	s7 =	sadd.s32 s0, s11  }
0x10: {  	v12 =	vimm.s32 $0xB;
	v13 =	vimm.s32 $0xC;
	v0 =	vmul.u32 $0x20, v0;
	s8 =	sadd.s32 s1, s11;
	s9 =	sadd.s32 s9, s11;
	s11 =	simm.s32 $0x2  }
0x11: {  	v14 =	vimm.s32 $0xD;
	v15 =	vimm.s32 $0xE;
	v16 =	vimm.s32 $0xF;
	s0 =	simm.s32 $0x0;
	s10 =	smax.u32 s26, $0x1;
	s26 =	simm.s32 $0x3400  }
.LBB2_1:
0x12: {  	[tilespmem:s2], [sflag:$0x2] =	stream.linear.gather [hbm4b:s7+s2], $0x200, $0x38;
	[tilespmem:$0x8630] =	vst v63  }
0x13: {  	_ =	swait.ge [sflag:s11], $0x200  }
0x14: {  	[sflag:s11] =	ssyncset.done $0x0  }
0x15: {  	[sflag:s11] =	ssyncadd.s32 $0xFFFFFE00  }
0x16: {  	[tilespmem:s12], [sflag:$0x2] =	stream.linear.gather [hbm4b:s8+s2], $0x200, $0x38;
	[tilespmem:$0x8630] =	vst v63  }
0x17: {  	_ =	swait.ge [sflag:s11], $0x200  }
0x18: {  	[sflag:s11] =	ssyncset.done $0x0  }
0x19: {  	[sflag:s11] =	ssyncadd.s32 $0xFFFFFE00  }
0x1a: {  	s1 =	rddreg [dreg:$0x3]  }
0x1b: {  	[tilespmem:s13], [sflag:$0x2] =	stream.linear.gather [hbm4b:s1+s2], $0x20, $0x38;
	[tilespmem:$0x8630] =	vst v63  }
0x1c: {  	_ =	swait.ge [sflag:s11], $0x20  }
0x1d: {  	[sflag:s11] =	ssyncset.done $0x0  }
0x1e: {  	[sflag:s11] =	ssyncadd.s32 $0xFFFFFFE0  }
0x1f: {  	[tilespmem:s14], [sflag:$0x2] =	stream.linear.gather [hbm4b:s6+s2], $0x10, $0x38;
	[tilespmem:$0x8630] =	vst v63  }
0x20: {  	_ =	swait.ge [sflag:s11], $0x10  }
0x21: {  	[sflag:s11] =	ssyncset.done $0x0  }
0x22: {  	[sflag:s11] =	ssyncadd.s32 $0xFFFFFFF0  }
0x23: {  	[tilespmem:s16], [sflag:$0x1] =	stream.indirect.gather [hbm4b:s4+s15], $0x20, s2, s15, $0xb8;
	[tilespmem:$0x8630] =	vst v63  }
0x24: {  	_ = 	snop  }
0x25: {  	[tilespmem:s17], [sflag:$0x1] =	stream.indirect.gather [hbm4b:s5+s15], $0x20, s12, s15, $0xb8;
	[tilespmem:$0x8630] =	vst v63  }
0x26: {  	_ = 	snop  }
0x27: {  	[tilespmem:s18], [sflag:$0x1] =	stream.indirect.gather [hbm4b:s4+s15], $0x20, s15, s15, $0xb8;
	[tilespmem:$0x8630] =	vst v63  }
0x28: {  	_ = 	snop  }
0x29: {  	[tilespmem:s20], [sflag:$0x1] =	stream.indirect.gather [hbm4b:s5+s15], $0x20, s19, s15, $0xb8;
	[tilespmem:$0x8630] =	vst v63  }
0x2a: {  	_ = 	snop  }
0x2b: {  	[tilespmem:s22], [sflag:$0x1] =	stream.indirect.gather [hbm4b:s4+s15], $0x20, s21, s15, $0xb8;
	[tilespmem:$0x8630] =	vst v63  }
0x2c: {  	_ = 	snop  }
0x2d: {  	[tilespmem:s24], [sflag:$0x1] =	stream.indirect.gather [hbm4b:s5+s15], $0x20, s23, s15, $0xb8;
	[tilespmem:$0x8630] =	vst v63  }
0x2e: {  	_ = 	snop  }
0x2f: {  	[tilespmem:s26], [sflag:$0x1] =	stream.indirect.gather [hbm4b:s4+s15], $0x20, s25, s15, $0xb8;
	[tilespmem:$0x8630] =	vst v63  }
0x30: {  	_ = 	snop  }
0x31: {  	[tilespmem:s29], [sflag:$0x1] =	stream.indirect.gather [hbm4b:s5+s15], $0x20, s28, s15, $0xb8;
	[tilespmem:$0x8630] =	vst v63  }
0x32: {  	_ =	swait.ge [sflag:s30], $0x1000  }
0x33: {  	[sflag:s30] =	ssyncset.done $0x0  }
0x34: {  	[sflag:s30] =	ssyncadd.s32 $0xFFFFF000  }
0x35: {  	_ =	swait.ge [sflag:s30], $0x1000  }
0x36: {  	[sflag:s30] =	ssyncset.done $0x0  }
0x37: {  	[sflag:s30] =	ssyncadd.s32 $0xFFFFF000  }
0x38: {  	_ =	swait.ge [sflag:s30], $0x1000  }
0x39: {  	[sflag:s30] =	ssyncset.done $0x0  }
0x3a: {  	[sflag:s30] =	ssyncadd.s32 $0xFFFFF000  }
0x3b: {  	_ =	swait.ge [sflag:s30], $0x1000  }
0x3c: {  	[sflag:s30] =	ssyncset.done $0x0  }
0x3d: {  	[sflag:s30] =	ssyncadd.s32 $0xFFFFF000  }
0x3e: {  	_ =	swait.ge [sflag:s30], $0x1000  }
0x3f: {  	[sflag:s30] =	ssyncset.done $0x0  }
0x40: {  	[sflag:s30] =	ssyncadd.s32 $0xFFFFF000  }
0x41: {  	_ =	swait.ge [sflag:s30], $0x1000  }
0x42: {  	[sflag:s30] =	ssyncset.done $0x0  }
0x43: {  	[sflag:s30] =	ssyncadd.s32 $0xFFFFF000  }
0x44: {  	v17 =	vmov s2;
	_ =	swait.ge [sflag:s30], $0x1000  }
0x45: {  	v17 =	vshll.u32 v17, $0x5;
	[sflag:s30] =	ssyncset.done $0x0  }
0x46: {  	v44 =	vor.u32 v0, v17;
	[sflag:s30] =	ssyncadd.s32 $0xFFFFF000  }
0x47: {  	_ =	swait.ge [sflag:s30], $0x1000  }
0x48: {  	v17 =	vor.u32 $0x1, v44;
	[sflag:s30] =	ssyncset.done $0x0  }
0x49: {  	[sflag:s30] =	ssyncadd.s32 $0xFFFFF000  }
0x4a: {  	v18 =	vor.u32 $0x2, v44;
	v32 =	vld [tilespmem:$0x8400]  }
0x4b: {  	v19 =	vld.idx.msk [tilespmem:v44+s17+$0x0], $0xffff  }
0x4c: {  	v22 =	vor.u32 $0x3, v44;
	v20 =	vld.idx.msk [tilespmem:v44+s16+$0x0], $0xffff  }
0x4d: {  	v25 =	vor.u32 $0x4, v44;
	v23 =	vld.idx.msk [tilespmem:v17+s16+$0x0], $0xffff  }
0x4e: {  	v28 =	vor.u32 $0x5, v44;
	v24 =	vld.idx.msk [tilespmem:v17+s17+$0x0], $0xffff  }
0x4f: {  	v26 =	vld.idx.msk [tilespmem:v18+s16+$0x0], $0xffff  }
0x50: {  	v27 =	vld.idx.msk [tilespmem:v18+s17+$0x0], $0xffff  }
0x51: {  	v29 =	vld.idx.msk [tilespmem:v22+s16+$0x0], $0xffff  }
0x52: {  	v30 =	vld.idx.msk [tilespmem:v25+s16+$0x0], $0xffff  }
0x53: {  	v51 =	vor.u32 $0x9, v44;
	v31 =	vld.idx.msk [tilespmem:v28+s16+$0x0], $0xffff  }
0x54: {  	v21 =	vperm.xlane v32, v2;
	v18 =	vmul.f32 v19, v20;
	v20 =	vld.idx.msk [tilespmem:v22+s17+$0x0], $0xffff;
	v22 =	vor.u32 $0x6, v44  }
0x55: {  	v28 =	vld.idx.msk [tilespmem:v28+s17+$0x0], $0xffff;
	v17 =	vperm.xlane v32, v3  }
0x56: {  	v23 =	vmul.f32 v24, v23;
	v24 =	vld.idx.msk [tilespmem:v25+s17+$0x0], $0xffff;
	v25 =	vor.u32 $0x7, v44;
	v19 =	vmul.f32 v21, v18  }
0x57: {  	v52 =	vor.u32 $0xC, v44;
	v48 =	vld [tilespmem:$0x8410];
	v26 =	vmul.f32 v27, v26  }
0x58: {  	v37 =	vld.idx.msk [tilespmem:v51+s16+$0x0], $0xffff;
	v18 =	vperm.xlane v32, v4;
	v23 =	vmul.f32 v17, v23;
	v33 =	vadd.f32 $0.0e+00, v19  }
0x59: {  	v1 =	vimm.s32 $0x5;
	v27 =	vor.u32 $0x8, v44;
	v19 =	vperm.xlane v32, v5;
	v34 =	vld.idx.msk [tilespmem:v22+s16+$0x0], $0xffff  }
0x5a: {  	v26 =	vmul.f32 v18, v26;
	v29 =	vmul.f32 v20, v29;
	v35 =	vld.idx.msk [tilespmem:v22+s17+$0x0], $0xffff;
	v23 =	vadd.f32 v23, v33  }
0x5b: {  	v28 =	vmul.f32 v28, v31;
	v31 =	vor.u32 $0xB, v44;
	v20 =	vperm.xlane v32, v6;
	v36 =	vld.idx.msk [tilespmem:v25+s16+$0x0], $0xffff  }
0x5c: {  	v24 =	vmul.f32 v24, v30;
	v25 =	vld.idx.msk [tilespmem:v25+s17+$0x0], $0xffff;
	v23 =	vadd.f32 v26, v23;
	v26 =	vmul.f32 v19, v29  }
0x5d: {  	v40 =	vld.idx.msk [tilespmem:v52+s16+$0x0], $0xffff;
	v22 =	vperm.xlane v32, v1;
	v29 =	vor.u32 $0xA, v44  }
0x5e: {  	v30 =	vld.idx.msk [tilespmem:v27+s16+$0x0], $0xffff;
	v24 =	vmul.f32 v20, v24;
	v26 =	vadd.f32 v26, v23  }
0x5f: {  	v54 =	vor.u32 $0xD, v44;
	v27 =	vld.idx.msk [tilespmem:v27+s17+$0x0], $0xffff;
	v28 =	vmul.f32 v22, v28  }
0x60: {  	v33 =	vld.idx.msk [tilespmem:v51+s17+$0x0], $0xffff;
	v23 =	vperm.xlane v32, v7;
	v34 =	vmul.f32 v35, v34;
	v26 =	vadd.f32 v24, v26  }
0x61: {  	v56 =	vor.u32 $0xF, v44;
	v39 =	vld.idx.msk [tilespmem:v31+s16+$0x0], $0xffff;
	v53 =	vmul.f32 v25, v36  }
0x62: {  	v24 =	vperm.xlane v32, v8;
	v38 =	vld.idx.msk [tilespmem:v29+s16+$0x0], $0xffff;
	v26 =	vadd.f32 v28, v26;
	v28 =	vmul.f32 v23, v34  }
0x63: {  	v57 =	vor.u32 $0x10, v44;
	v25 =	vperm.xlane v32, v9;
	v29 =	vld.idx.msk [tilespmem:v29+s17+$0x0], $0xffff  }
0x64: {  	v31 =	vld.idx.msk [tilespmem:v31+s17+$0x0], $0xffff;
	v27 =	vmul.f32 v27, v30;
	v34 =	vmul.f32 v24, v53;
	v28 =	vadd.f32 v28, v26  }
0x65: {  	v41 =	vld.idx.msk [tilespmem:v54+s16+$0x0], $0xffff;
	v30 =	vor.u32 $0xE, v44;
	v33 =	vmul.f32 v33, v37  }
0x66: {  	v35 =	vld.idx.msk [tilespmem:v52+s17+$0x0], $0xffff;
	v55 =	vmul.f32 v25, v27;
	v26 =	vperm.xlane v32, v10;
	v28 =	vadd.f32 v34, v28  }
0x67: {  	v59 =	vor.u32 $0x11, v44;
	v45 =	vld.idx.msk [tilespmem:v56+s16+$0x0], $0xffff;
	v27 =	vperm.xlane v32, v11  }
0x68: {  	v36 =	vld.idx.msk [tilespmem:v54+s17+$0x0], $0xffff;
	v33 =	vmul.f32 v26, v33;
	v29 =	vmul.f32 v29, v38;
	v34 =	vadd.f32 v55, v28  }
0x69: {  	v61 =	vor.u32 $0x12, v44;
	v62 =	vld.idx.msk [tilespmem:v57+s16+$0x0], $0xffff;
	v31 =	vmul.f32 v31, v39  }
0x6a: {  	v42 =	vld.idx.msk [tilespmem:v30+s16+$0x0], $0xffff;
	v28 =	vperm.xlane v32, v12;
	v58 =	vmul.f32 v27, v29;
	v33 =	vadd.f32 v33, v34  }
0x6b: {  	v63 =	vor.u32 $0x13, v44;
	v43 =	vld.idx.msk [tilespmem:v30+s17+$0x0], $0xffff;
	v60 =	vmul.f32 v35, v40  }
0x6c: {  	v37 =	vld.idx.msk [tilespmem:v56+s17+$0x0], $0xffff;
	v29 =	vperm.xlane v32, v13;
	v31 =	vmul.f32 v28, v31;
	v33 =	vadd.f32 v58, v33  }
0x6d: {  	v46 =	vld.idx.msk [tilespmem:v59+s16+$0x0], $0xffff;
	v30 =	vperm.xlane v32, v14;
	v36 =	vmul.f32 v36, v41  }
0x6e: {  	v38 =	vld.idx.msk [tilespmem:v57+s17+$0x0], $0xffff;
	v34 =	vmul.f32 v29, v60;
	v33 =	vadd.f32 v31, v33  }
0x6f: {  	v47 =	vld.idx.msk [tilespmem:v61+s17+$0x0], $0xffff;
	v53 =	vor.u32 $0x14, v44;
	v51 =	vmul.f32 v30, v36  }
0x70: {  	v39 =	vld.idx.msk [tilespmem:v59+s17+$0x0], $0xffff;
	v52 =	vmul.f32 v43, v42;
	v31 =	vperm.xlane v32, v15;
	v33 =	vadd.f32 v34, v33  }
0x71: {  	v49 =	vld.idx.msk [tilespmem:v63+s16+$0x0], $0xffff;
	v37 =	vmul.f32 v37, v45;
	v55 =	vor.u32 $0x15, v44  }
0x72: {  	v54 =	vld.idx.msk [tilespmem:v61+s16+$0x0], $0xffff;
	v32 =	vperm.xlane v32, v16;
	v36 =	vmul.f32 v31, v52;
	v34 =	vadd.f32 v51, v33  }
0x73: {  	v61 =	vld.idx.msk [tilespmem:v63+s17+$0x0], $0xffff;
	v63 =	vor.u32 $0x17, v44;
	v59 =	vmul.f32 v38, v62  }
0x74: {  	v58 =	vmul.f32 v32, v37;
	v33 =	vperm.xlane v48, v2;
	v57 =	vadd.f32 v36, v34  }
0x75: {  	v39 =	vmul.f32 v39, v46;
	v42 =	vld.idx.msk [tilespmem:v53+s17+$0x0], $0xffff;
	v60 =	vor.u32 $0x16, v44  }
0x76: {  	v62 =	vld.idx.msk [tilespmem:v53+s16+$0x0], $0xffff;
	v34 =	vperm.xlane v48, v3;
	v37 =	vmul.f32 v33, v59;
	v36 =	vadd.f32 v58, v57  }
0x77: {  	v35 =	vperm.xlane v48, v4;
	v43 =	vmul.f32 v47, v54;
	v50 =	vld.idx.msk [tilespmem:v55+s16+$0x0], $0xffff  }
0x78: {  	v56 =	vor.u32 $0x18, v44;
	v45 =	vld.idx.msk [tilespmem:v55+s17+$0x0], $0xffff;
	v39 =	vmul.f32 v34, v39;
	v37 =	vadd.f32 v37, v36  }
0x79: {  	v40 =	vmul.f32 v61, v49;
	v43 =	vmul.f32 v35, v43;
	v53 =	vld.idx.msk [tilespmem:v63+s16+$0x0], $0xffff  }
0x7a: {  	v52 =	vld.idx.msk [tilespmem:v60+s17+$0x0], $0xffff;
	v57 =	vor.u32 $0x19, v44;
	v36 =	vperm.xlane v48, v5;
	v39 =	vadd.f32 v39, v37  }
0x7b: {  	v41 =	vmul.f32 v42, v62;
	v51 =	vld.idx.msk [tilespmem:v60+s16+$0x0], $0xffff;
	v58 =	vor.u32 $0x1A, v44  }
0x7c: {  	v59 =	vld.idx.msk [tilespmem:v63+s17+$0x0], $0xffff;
	v37 =	vperm.xlane v48, v6;
	v40 =	vmul.f32 v36, v40;
	v39 =	vadd.f32 v43, v39  }
0x7d: {  	v47 =	vld.idx.msk [tilespmem:v56+s17+$0x0], $0xffff;
	v38 =	vperm.xlane v48, v1;
	v45 =	vmul.f32 v45, v50  }
0x7e: {  	v61 =	vor.u32 $0x1B, v44;
	v60 =	vld.idx.msk [tilespmem:v56+s16+$0x0], $0xffff;
	v41 =	vmul.f32 v37, v41;
	v40 =	vadd.f32 v40, v39  }
0x7f: {  	v62 =	vor.u32 $0x1C, v44;
	v45 =	vmul.f32 v38, v45;
	v54 =	vld.idx.msk [tilespmem:v57+s16+$0x0], $0xffff  }
0x80: {  	v51 =	vmul.f32 v52, v51;
	v49 =	vld.idx.msk [tilespmem:v57+s17+$0x0], $0xffff;
	v39 =	vperm.xlane v48, v7;
	v41 =	vadd.f32 v41, v40  }
0x81: {  	v55 =	vld.idx.msk [tilespmem:v58+s16+$0x0], $0xffff;
	v43 =	vmul.f32 v59, v53;
	v53 =	vor.u32 $0x1D, v44  }
0x82: {  	v56 =	vld.idx.msk [tilespmem:v58+s17+$0x0], $0xffff;
	v40 =	vperm.xlane v48, v8;
	v51 =	vmul.f32 v39, v51;
	v45 =	vadd.f32 v45, v41  }
0x83: {  	v50 =	vld.idx.msk [tilespmem:v61+s17+$0x0], $0xffff;
	v63 =	vor.u32 $0x1E, v44;
	v46 =	vmul.f32 v47, v60  }
0x84: {  	v60 =	vld.idx.msk [tilespmem:v62+s16+$0x0], $0xffff;
	v41 =	vperm.xlane v48, v9;
	v43 =	vmul.f32 v40, v43;
	v45 =	vadd.f32 v51, v45  }
0x85: {  	v42 =	vperm.xlane v48, v10;
	v57 =	vld.idx.msk [tilespmem:v61+s16+$0x0], $0xffff  }
0x86: {  	v52 =	vld.idx.msk [tilespmem:v62+s17+$0x0], $0xffff;
	v49 =	vmul.f32 v49, v54;
	v46 =	vmul.f32 v41, v46;
	v45 =	vadd.f32 v43, v45  }
0x87: {  	v54 =	vor.u32 $0x1F, v44;
	v62 =	vmul.f32 v56, v55;
	v58 =	vld.idx.msk [tilespmem:v53+s16+$0x0], $0xffff  }
0x88: {  	v53 =	vld.idx.msk [tilespmem:v53+s17+$0x0], $0xffff;
	v61 =	vmul.f32 v42, v49;
	v43 =	vperm.xlane v48, v11;
	v45 =	vadd.f32 v46, v45  }
0x89: {  	v44 =	vperm.xlane v48, v12;
	v55 =	vld.idx.msk [tilespmem:v63+s16+$0x0], $0xffff  }
0x8a: {  	v50 =	vmul.f32 v50, v57;
	v56 =	vld.idx.msk [tilespmem:v63+s17+$0x0], $0xffff;
	v49 =	vmul.f32 v43, v62;
	v46 =	vadd.f32 v61, v45  }
0x8b: {  	v60 =	vmul.f32 v52, v60  }
0x8c: {  	v59 =	vmul.f32 v44, v50;
	v57 =	vld.idx.msk [tilespmem:v54+s16+$0x0], $0xffff;
	v45 =	vperm.xlane v48, v13;
	v63 =	vadd.f32 v49, v46  }
0x8d: {  	v62 =	vmul.f32 v53, v58;
	v61 =	vld.idx.msk [tilespmem:v54+s17+$0x0], $0xffff  }
0x8e: {  	v46 =	vperm.xlane v48, v14;
	v50 =	vmul.f32 v45, v60;
	v49 =	vadd.f32 v59, v63  }
0x8f: {  	v47 =	vperm.xlane v48, v15;
	v58 =	vmul.f32 v56, v55  }
0x90: {  	v63 =	vmul.f32 v46, v62;
	v49 =	vadd.f32 v50, v49  }
0x91: {  	v52 =	vmul.f32 v47, v58  }
0x92: {  	v48 =	vperm.xlane v48, v16;
	v51 =	vmul.f32 v61, v57;
	v50 =	vadd.f32 v63, v49  }
0x93: {  	v49 =	vld [tilespmem:$0x8420]  }
0x94: {  	v51 =	vmul.f32 v48, v51;
	v50 =	vadd.f32 v52, v50;
	_ =	sdelay $0x1  }
0x95: {  	v50 =	vadd.f32 v51, v50;
	_ =	sdelay $0x1  }
0x96: {  	v50 =	vadd.f32 v50, v49;
	_ =	sdelay $0x1  }
0x97: {  	v50 =	vsub.f32 $0.0e+00, v50;
	_ =	sdelay $0x1  }
0x98: {  	v50 =	vmul.f32 $1.442695020e+00, v50;
	_ =	sdelay $0x1  }
0x99: {  	(erf) = vpow2.f32 v50;
	_ =	sdelay $0x8  }
0x9a: {  	v50 =	vpop (erf)  }
0x9b: {  	v50 =	vadd.f32 $1.000000000e+00, v50;
	_ =	sdelay $0x1  }
0x9c: {  	(erf) = vrcp.f32 v50;
	_ =	sdelay $0x2  }
0x9d: {  	s3 =	simm.s32 $0x10  }
0x9e: {  	v59 =	vmov s3  }
0x9f: {  	v50 =	vshll.u32 v59, $0x5  }
0xa0: {  	v50 =	vor.u32 v0, v50;
	_ =	sdelay $0x1  }
0xa1: {  	v60 =	vor.u32 $0x1, v50  }
0xa2: {  	v61 =	vpop (erf)  }
0xa3: {  	v62 =	vor.u32 $0x2, v50;
	[tilespmem:s31+$0x0] =	vst v61  }
0xa4: {  	v52 =	vld.idx.msk [tilespmem:v50+s17+$0x0], $0xffff  }
0xa5: {  	v55 =	vor.u32 $0x3, v50;
	v54 =	vld.idx.msk [tilespmem:v50+s16+$0x0], $0xffff  }
0xa6: {  	v56 =	vld.idx.msk [tilespmem:v60+s16+$0x0], $0xffff  }
0xa7: {  	v57 =	vor.u32 $0x4, v50;
	v51 =	vld.idx.msk [tilespmem:v60+s17+$0x0], $0xffff  }
0xa8: {  	v58 =	vld.idx.msk [tilespmem:v62+s16+$0x0], $0xffff  }
0xa9: {  	v59 =	vor.u32 $0x5, v50;
	v53 =	vld.idx.msk [tilespmem:v62+s17+$0x0], $0xffff  }
0xaa: {  	v60 =	vld.idx.msk [tilespmem:v55+s16+$0x0], $0xffff;
	v52 =	vmul.f32 v52, v54  }
0xab: {  	v54 =	vld.idx.msk [tilespmem:v55+s17+$0x0], $0xffff;
	v55 =	vor.u32 $0x6, v50  }
0xac: {  	v61 =	vld.idx.msk [tilespmem:v57+s16+$0x0], $0xffff;
	v51 =	vmul.f32 v51, v56;
	v52 =	vmul.f32 v21, v52  }
0xad: {  	v56 =	vld.idx.msk [tilespmem:v57+s17+$0x0], $0xffff;
	v57 =	vor.u32 $0x7, v50  }
0xae: {  	v62 =	vld.idx.msk [tilespmem:v59+s16+$0x0], $0xffff;
	v53 =	vmul.f32 v53, v58;
	v51 =	vmul.f32 v17, v51;
	v52 =	vadd.f32 $0.0e+00, v52  }
0xaf: {  	v59 =	vld.idx.msk [tilespmem:v59+s17+$0x0], $0xffff;
	v58 =	vor.u32 $0x8, v50  }
0xb0: {  	v53 =	vmul.f32 v18, v53;
	v54 =	vmul.f32 v54, v60;
	v51 =	vadd.f32 v51, v52;
	v52 =	vld.idx.msk [tilespmem:v55+s16+$0x0], $0xffff  }
0xb1: {  	v60 =	vor.u32 $0x9, v50;
	v55 =	vld.idx.msk [tilespmem:v55+s17+$0x0], $0xffff  }
0xb2: {  	v56 =	vmul.f32 v56, v61;
	v54 =	vmul.f32 v19, v54;
	v51 =	vadd.f32 v53, v51;
	v53 =	vld.idx.msk [tilespmem:v57+s16+$0x0], $0xffff  }
0xb3: {  	v61 =	vor.u32 $0xA, v50;
	v57 =	vld.idx.msk [tilespmem:v57+s17+$0x0], $0xffff  }
0xb4: {  	v59 =	vmul.f32 v59, v62;
	v56 =	vmul.f32 v20, v56;
	v51 =	vadd.f32 v54, v51;
	v54 =	vld.idx.msk [tilespmem:v58+s16+$0x0], $0xffff  }
0xb5: {  	v62 =	vor.u32 $0xB, v50;
	v58 =	vld.idx.msk [tilespmem:v58+s17+$0x0], $0xffff  }
0xb6: {  	v59 =	vmul.f32 v22, v59;
	v52 =	vmul.f32 v55, v52;
	v51 =	vadd.f32 v56, v51;
	v56 =	vld.idx.msk [tilespmem:v60+s16+$0x0], $0xffff  }
0xb7: {  	v55 =	vor.u32 $0xC, v50;
	v60 =	vld.idx.msk [tilespmem:v60+s17+$0x0], $0xffff  }
0xb8: {  	v52 =	vmul.f32 v23, v52;
	v53 =	vmul.f32 v57, v53;
	v51 =	vadd.f32 v59, v51;
	v59 =	vld.idx.msk [tilespmem:v61+s16+$0x0], $0xffff  }
0xb9: {  	v57 =	vor.u32 $0xD, v50;
	v61 =	vld.idx.msk [tilespmem:v61+s17+$0x0], $0xffff  }
0xba: {  	v53 =	vmul.f32 v24, v53;
	v54 =	vmul.f32 v58, v54;
	v51 =	vadd.f32 v52, v51;
	v52 =	vld.idx.msk [tilespmem:v62+s16+$0x0], $0xffff  }
0xbb: {  	v58 =	vor.u32 $0xE, v50;
	v62 =	vld.idx.msk [tilespmem:v62+s17+$0x0], $0xffff  }
0xbc: {  	v54 =	vmul.f32 v25, v54;
	v56 =	vmul.f32 v60, v56;
	v51 =	vadd.f32 v53, v51;
	v53 =	vld.idx.msk [tilespmem:v55+s16+$0x0], $0xffff  }
0xbd: {  	v60 =	vor.u32 $0xF, v50;
	v55 =	vld.idx.msk [tilespmem:v55+s17+$0x0], $0xffff  }
0xbe: {  	v56 =	vmul.f32 v26, v56;
	v59 =	vmul.f32 v61, v59;
	v51 =	vadd.f32 v54, v51;
	v54 =	vld.idx.msk [tilespmem:v57+s16+$0x0], $0xffff  }
0xbf: {  	v61 =	vor.u32 $0x10, v50;
	v57 =	vld.idx.msk [tilespmem:v57+s17+$0x0], $0xffff  }
0xc0: {  	v59 =	vmul.f32 v27, v59;
	v52 =	vmul.f32 v62, v52;
	v51 =	vadd.f32 v56, v51;
	v56 =	vld.idx.msk [tilespmem:v58+s16+$0x0], $0xffff  }
0xc1: {  	v62 =	vor.u32 $0x11, v50;
	v58 =	vld.idx.msk [tilespmem:v58+s17+$0x0], $0xffff  }
0xc2: {  	v52 =	vmul.f32 v28, v52;
	v53 =	vmul.f32 v55, v53;
	v51 =	vadd.f32 v59, v51;
	v59 =	vld.idx.msk [tilespmem:v60+s16+$0x0], $0xffff  }
0xc3: {  	v55 =	vor.u32 $0x12, v50;
	v60 =	vld.idx.msk [tilespmem:v60+s17+$0x0], $0xffff  }
0xc4: {  	v53 =	vmul.f32 v29, v53;
	v54 =	vmul.f32 v57, v54;
	v51 =	vadd.f32 v52, v51;
	v52 =	vld.idx.msk [tilespmem:v61+s16+$0x0], $0xffff  }
0xc5: {  	v57 =	vor.u32 $0x13, v50;
	v61 =	vld.idx.msk [tilespmem:v61+s17+$0x0], $0xffff  }
0xc6: {  	v54 =	vmul.f32 v30, v54;
	v56 =	vmul.f32 v58, v56;
	v51 =	vadd.f32 v53, v51;
	v53 =	vld.idx.msk [tilespmem:v62+s16+$0x0], $0xffff  }
0xc7: {  	v58 =	vor.u32 $0x14, v50;
	v62 =	vld.idx.msk [tilespmem:v62+s17+$0x0], $0xffff  }
0xc8: {  	v56 =	vmul.f32 v31, v56;
	v59 =	vmul.f32 v60, v59;
	v51 =	vadd.f32 v54, v51;
	v54 =	vld.idx.msk [tilespmem:v55+s16+$0x0], $0xffff  }
0xc9: {  	v60 =	vor.u32 $0x15, v50;
	v55 =	vld.idx.msk [tilespmem:v55+s17+$0x0], $0xffff  }
0xca: {  	v59 =	vmul.f32 v32, v59;
	v52 =	vmul.f32 v61, v52;
	v51 =	vadd.f32 v56, v51;
	v56 =	vld.idx.msk [tilespmem:v57+s16+$0x0], $0xffff  }
0xcb: {  	v61 =	vor.u32 $0x16, v50;
	v57 =	vld.idx.msk [tilespmem:v57+s17+$0x0], $0xffff  }
0xcc: {  	v52 =	vmul.f32 v33, v52;
	v53 =	vmul.f32 v62, v53;
	v51 =	vadd.f32 v59, v51;
	v59 =	vld.idx.msk [tilespmem:v58+s16+$0x0], $0xffff  }
0xcd: {  	v62 =	vor.u32 $0x17, v50;
	v58 =	vld.idx.msk [tilespmem:v58+s17+$0x0], $0xffff  }
0xce: {  	v53 =	vmul.f32 v34, v53;
	v54 =	vmul.f32 v55, v54;
	v51 =	vadd.f32 v52, v51;
	v52 =	vld.idx.msk [tilespmem:v60+s16+$0x0], $0xffff  }
0xcf: {  	v55 =	vor.u32 $0x18, v50;
	v60 =	vld.idx.msk [tilespmem:v60+s17+$0x0], $0xffff  }
0xd0: {  	v54 =	vmul.f32 v35, v54;
	v56 =	vmul.f32 v57, v56;
	v51 =	vadd.f32 v53, v51;
	v53 =	vld.idx.msk [tilespmem:v61+s16+$0x0], $0xffff  }
0xd1: {  	v57 =	vor.u32 $0x19, v50;
	v61 =	vld.idx.msk [tilespmem:v61+s17+$0x0], $0xffff  }
0xd2: {  	v56 =	vmul.f32 v36, v56;
	v58 =	vmul.f32 v58, v59;
	v51 =	vadd.f32 v54, v51;
	v54 =	vld.idx.msk [tilespmem:v62+s16+$0x0], $0xffff  }
0xd3: {  	v59 =	vor.u32 $0x1A, v50;
	v62 =	vld.idx.msk [tilespmem:v62+s17+$0x0], $0xffff  }
0xd4: {  	v58 =	vmul.f32 v37, v58;
	v52 =	vmul.f32 v60, v52;
	v51 =	vadd.f32 v56, v51;
	v56 =	vld.idx.msk [tilespmem:v55+s16+$0x0], $0xffff  }
0xd5: {  	v60 =	vor.u32 $0x1B, v50;
	v55 =	vld.idx.msk [tilespmem:v55+s17+$0x0], $0xffff  }
0xd6: {  	v52 =	vmul.f32 v38, v52;
	v53 =	vmul.f32 v61, v53;
	v51 =	vadd.f32 v58, v51;
	v58 =	vld.idx.msk [tilespmem:v57+s16+$0x0], $0xffff  }
0xd7: {  	v61 =	vor.u32 $0x1C, v50;
	v57 =	vld.idx.msk [tilespmem:v57+s17+$0x0], $0xffff  }
0xd8: {  	v53 =	vmul.f32 v39, v53;
	v54 =	vmul.f32 v62, v54;
	v51 =	vadd.f32 v52, v51;
	v52 =	vld.idx.msk [tilespmem:v59+s16+$0x0], $0xffff  }
0xd9: {  	v62 =	vor.u32 $0x1D, v50;
	v59 =	vld.idx.msk [tilespmem:v59+s17+$0x0], $0xffff  }
0xda: {  	v54 =	vmul.f32 v40, v54;
	v55 =	vmul.f32 v55, v56;
	v51 =	vadd.f32 v53, v51;
	v53 =	vld.idx.msk [tilespmem:v60+s16+$0x0], $0xffff  }
0xdb: {  	v56 =	vor.u32 $0x1E, v50;
	v60 =	vld.idx.msk [tilespmem:v60+s17+$0x0], $0xffff  }
0xdc: {  	v63 =	vld.idx.msk [tilespmem:v61+s17+$0x0], $0xffff;
	v55 =	vmul.f32 v41, v55;
	v51 =	vadd.f32 v54, v51;
	v54 =	vmul.f32 v57, v58  }
0xdd: {  	v50 =	vor.u32 $0x1F, v50;
	v57 =	vld.idx.msk [tilespmem:v61+s16+$0x0], $0xffff  }
0xde: {  	v61 =	vld.idx.msk [tilespmem:v62+s17+$0x0], $0xffff;
	v52 =	vmul.f32 v59, v52;
	v51 =	vadd.f32 v55, v51;
	v54 =	vmul.f32 v42, v54  }
0xdf: {  	v55 =	vld.idx.msk [tilespmem:v62+s16+$0x0], $0xffff  }
0xe0: {  	v62 =	vld.idx.msk [tilespmem:v56+s16+$0x0], $0xffff;
	v53 =	vmul.f32 v60, v53;
	v52 =	vmul.f32 v43, v52;
	v51 =	vadd.f32 v54, v51  }
0xe1: {  	v56 =	vld.idx.msk [tilespmem:v56+s17+$0x0], $0xffff  }
0xe2: {  	v60 =	vld.idx.msk [tilespmem:v50+s16+$0x0], $0xffff;
	v63 =	vmul.f32 v63, v57;
	v53 =	vmul.f32 v44, v53;
	v51 =	vadd.f32 v52, v51  }
0xe3: {  	v50 =	vld.idx.msk [tilespmem:v50+s17+$0x0], $0xffff  }
0xe4: {  	v61 =	vmul.f32 v61, v55;
	v52 =	vmul.f32 v45, v63;
	v51 =	vadd.f32 v53, v51;
	_ =	sdelay $0x1  }
0xe5: {  	v62 =	vmul.f32 v56, v62;
	v53 =	vmul.f32 v46, v61;
	v51 =	vadd.f32 v52, v51;
	_ =	sdelay $0x1  }
0xe6: {  	v50 =	vmul.f32 v50, v60;
	v52 =	vmul.f32 v47, v62;
	v51 =	vadd.f32 v53, v51;
	_ =	sdelay $0x1  }
0xe7: {  	v50 =	vmul.f32 v48, v50;
	v51 =	vadd.f32 v52, v51;
	_ =	sdelay $0x1  }
0xe8: {  	v50 =	vadd.f32 v50, v51;
	_ =	sdelay $0x1  }
0xe9: {  	v50 =	vadd.f32 v50, v49;
	_ =	sdelay $0x1  }
0xea: {  	v50 =	vsub.f32 $0.0e+00, v50;
	_ =	sdelay $0x1  }
0xeb: {  	v50 =	vmul.f32 $1.442695020e+00, v50;
	_ =	sdelay $0x1  }
0xec: {  	(erf) = vpow2.f32 v50;
	_ =	sdelay $0x8  }
0xed: {  	v50 =	vpop (erf)  }
0xee: {  	v50 =	vadd.f32 $1.000000000e+00, v50;
	_ =	sdelay $0x1  }
0xef: {  	(erf) = vrcp.f32 v50;
	_ =	sdelay $0x2  }
0xf0: {  	s3 =	simm.s32 $0x20  }
0xf1: {  	v63 =	vmov s3  }
0xf2: {  	s1 =	simm.s32 $0x30;
	s3 =	simm.s32 $0x8430;
	v50 =	vshll.u32 v63, $0x5  }
.LBB2_2:
0xf3: {  	p0 =	sne.s32 s1, $0x1F0;
	v50 =	vor.u32 v0, v50;
	_ =	sdelay $0x1  }
0xf4: {  	v51 =	vor.u32 $0x1, v50  }
0xf5: {  	s3 =	sadd.s32 $0x10, s3;
	v52 =	vpop (erf)  }
0xf6: {  	v53 =	vor.u32 $0x2, v50;
	[tilespmem:s3+$0x0] =	vst v52  }
0xf7: {  	v52 =	vld.idx.msk [tilespmem:v50+s17+$0x0], $0xffff  }
0xf8: {  	v55 =	vor.u32 $0x3, v50;
	v54 =	vld.idx.msk [tilespmem:v50+s16+$0x0], $0xffff  }
0xf9: {  	v56 =	vld.idx.msk [tilespmem:v51+s16+$0x0], $0xffff  }
0xfa: {  	v57 =	vor.u32 $0x4, v50;
	v51 =	vld.idx.msk [tilespmem:v51+s17+$0x0], $0xffff  }
0xfb: {  	v58 =	vld.idx.msk [tilespmem:v53+s16+$0x0], $0xffff  }
0xfc: {  	v59 =	vor.u32 $0x5, v50;
	v53 =	vld.idx.msk [tilespmem:v53+s17+$0x0], $0xffff  }
0xfd: {  	v60 =	vld.idx.msk [tilespmem:v55+s16+$0x0], $0xffff  }
0xfe: {  	v52 =	vmul.f32 v52, v54;
	v54 =	vld.idx.msk [tilespmem:v55+s17+$0x0], $0xffff;
	v55 =	vor.u32 $0x6, v50  }
0xff: {  	v61 =	vld.idx.msk [tilespmem:v57+s16+$0x0], $0xffff  }
0x100: {  	v52 =	vmul.f32 v21, v52;
	v51 =	vmul.f32 v51, v56;
	v56 =	vld.idx.msk [tilespmem:v57+s17+$0x0], $0xffff;
	v57 =	vor.u32 $0x7, v50  }
0x101: {  	v63 =	vor.u32 $0x8, v50;
	v62 =	vld.idx.msk [tilespmem:v59+s16+$0x0], $0xffff  }
0x102: {  	v52 =	vadd.f32 $0.0e+00, v52;
	v51 =	vmul.f32 v17, v51;
	v53 =	vmul.f32 v53, v58;
	v58 =	vld.idx.msk [tilespmem:v59+s17+$0x0], $0xffff  }
0x103: {  	v1 =	vor.u32 $0x9, v50;
	v59 =	vld.idx.msk [tilespmem:v55+s16+$0x0], $0xffff  }
0x104: {  	v51 =	vadd.f32 v51, v52;
	v52 =	vmul.f32 v18, v53;
	v53 =	vmul.f32 v54, v60;
	v54 =	vld.idx.msk [tilespmem:v55+s17+$0x0], $0xffff  }
0x105: {  	v60 =	vor.u32 $0xA, v50;
	v55 =	vld.idx.msk [tilespmem:v57+s16+$0x0], $0xffff  }
0x106: {  	v51 =	vadd.f32 v52, v51;
	v52 =	vmul.f32 v19, v53;
	v53 =	vmul.f32 v56, v61;
	v56 =	vld.idx.msk [tilespmem:v57+s17+$0x0], $0xffff  }
0x107: {  	v61 =	vor.u32 $0xB, v50;
	v57 =	vld.idx.msk [tilespmem:v63+s16+$0x0], $0xffff  }
0x108: {  	v51 =	vadd.f32 v52, v51;
	v52 =	vmul.f32 v20, v53;
	v53 =	vmul.f32 v58, v62;
	v58 =	vld.idx.msk [tilespmem:v63+s17+$0x0], $0xffff  }
0x109: {  	v63 =	vor.u32 $0xC, v50;
	v62 =	vld.idx.msk [tilespmem:v1+s16+$0x0], $0xffff  }
0x10a: {  	v51 =	vadd.f32 v52, v51;
	v52 =	vmul.f32 v22, v53;
	v53 =	vmul.f32 v54, v59;
	v1 =	vld.idx.msk [tilespmem:v1+s17+$0x0], $0xffff  }
0x10b: {  	v59 =	vor.u32 $0xD, v50;
	v54 =	vld.idx.msk [tilespmem:v60+s16+$0x0], $0xffff  }
0x10c: {  	v51 =	vadd.f32 v52, v51;
	v52 =	vmul.f32 v23, v53;
	v53 =	vmul.f32 v56, v55;
	v55 =	vld.idx.msk [tilespmem:v60+s17+$0x0], $0xffff  }
0x10d: {  	v60 =	vor.u32 $0xE, v50;
	v56 =	vld.idx.msk [tilespmem:v61+s16+$0x0], $0xffff  }
0x10e: {  	v51 =	vadd.f32 v52, v51;
	v52 =	vmul.f32 v24, v53;
	v53 =	vmul.f32 v58, v57;
	v57 =	vld.idx.msk [tilespmem:v61+s17+$0x0], $0xffff  }
0x10f: {  	v61 =	vor.u32 $0xF, v50;
	v58 =	vld.idx.msk [tilespmem:v63+s16+$0x0], $0xffff  }
0x110: {  	v51 =	vadd.f32 v52, v51;
	v52 =	vmul.f32 v25, v53;
	v1 =	vmul.f32 v1, v62;
	v53 =	vld.idx.msk [tilespmem:v63+s17+$0x0], $0xffff  }
0x111: {  	v63 =	vor.u32 $0x10, v50;
	v62 =	vld.idx.msk [tilespmem:v59+s16+$0x0], $0xffff  }
0x112: {  	v51 =	vadd.f32 v52, v51;
	v1 =	vmul.f32 v26, v1;
	v52 =	vmul.f32 v55, v54;
	v54 =	vld.idx.msk [tilespmem:v59+s17+$0x0], $0xffff  }
0x113: {  	v59 =	vor.u32 $0x11, v50;
	v55 =	vld.idx.msk [tilespmem:v60+s16+$0x0], $0xffff  }
0x114: {  	v1 =	vadd.f32 v1, v51;
	v51 =	vmul.f32 v27, v52;
	v52 =	vmul.f32 v57, v56;
	v56 =	vld.idx.msk [tilespmem:v60+s17+$0x0], $0xffff  }
0x115: {  	v60 =	vor.u32 $0x12, v50;
	v57 =	vld.idx.msk [tilespmem:v61+s16+$0x0], $0xffff  }
0x116: {  	v1 =	vadd.f32 v51, v1;
	v51 =	vmul.f32 v28, v52;
	v52 =	vmul.f32 v53, v58;
	v53 =	vld.idx.msk [tilespmem:v61+s17+$0x0], $0xffff  }
0x117: {  	v61 =	vor.u32 $0x13, v50;
	v58 =	vld.idx.msk [tilespmem:v63+s16+$0x0], $0xffff  }
0x118: {  	v1 =	vadd.f32 v51, v1;
	v51 =	vmul.f32 v29, v52;
	v52 =	vmul.f32 v54, v62;
	v54 =	vld.idx.msk [tilespmem:v63+s17+$0x0], $0xffff  }
0x119: {  	v63 =	vor.u32 $0x14, v50;
	v62 =	vld.idx.msk [tilespmem:v59+s16+$0x0], $0xffff  }
0x11a: {  	v1 =	vadd.f32 v51, v1;
	v51 =	vmul.f32 v30, v52;
	v52 =	vmul.f32 v56, v55;
	v55 =	vld.idx.msk [tilespmem:v59+s17+$0x0], $0xffff  }
0x11b: {  	v59 =	vor.u32 $0x15, v50;
	v56 =	vld.idx.msk [tilespmem:v60+s16+$0x0], $0xffff  }
0x11c: {  	v1 =	vadd.f32 v51, v1;
	v51 =	vmul.f32 v31, v52;
	v52 =	vmul.f32 v53, v57;
	v53 =	vld.idx.msk [tilespmem:v60+s17+$0x0], $0xffff  }
0x11d: {  	v60 =	vor.u32 $0x16, v50;
	v57 =	vld.idx.msk [tilespmem:v61+s16+$0x0], $0xffff  }
0x11e: {  	v1 =	vadd.f32 v51, v1;
	v51 =	vmul.f32 v32, v52;
	v52 =	vmul.f32 v54, v58;
	v54 =	vld.idx.msk [tilespmem:v61+s17+$0x0], $0xffff  }
0x11f: {  	v61 =	vor.u32 $0x17, v50;
	v58 =	vld.idx.msk [tilespmem:v63+s16+$0x0], $0xffff  }
0x120: {  	v1 =	vadd.f32 v51, v1;
	v51 =	vmul.f32 v33, v52;
	v52 =	vmul.f32 v55, v62;
	v55 =	vld.idx.msk [tilespmem:v63+s17+$0x0], $0xffff  }
0x121: {  	v63 =	vor.u32 $0x18, v50;
	v62 =	vld.idx.msk [tilespmem:v59+s16+$0x0], $0xffff  }
0x122: {  	v1 =	vadd.f32 v51, v1;
	v51 =	vmul.f32 v34, v52;
	v52 =	vmul.f32 v53, v56;
	v53 =	vld.idx.msk [tilespmem:v59+s17+$0x0], $0xffff  }
0x123: {  	v59 =	vor.u32 $0x19, v50;
	v56 =	vld.idx.msk [tilespmem:v60+s16+$0x0], $0xffff  }
0x124: {  	v1 =	vadd.f32 v51, v1;
	v51 =	vmul.f32 v35, v52;
	v52 =	vmul.f32 v54, v57;
	v54 =	vld.idx.msk [tilespmem:v60+s17+$0x0], $0xffff  }
0x125: {  	v60 =	vor.u32 $0x1A, v50;
	v57 =	vld.idx.msk [tilespmem:v61+s16+$0x0], $0xffff  }
0x126: {  	v1 =	vadd.f32 v51, v1;
	v51 =	vmul.f32 v36, v52;
	v52 =	vmul.f32 v55, v58;
	v55 =	vld.idx.msk [tilespmem:v61+s17+$0x0], $0xffff  }
0x127: {  	v61 =	vor.u32 $0x1B, v50;
	v58 =	vld.idx.msk [tilespmem:v63+s16+$0x0], $0xffff  }
0x128: {  	v1 =	vadd.f32 v51, v1;
	v51 =	vmul.f32 v37, v52;
	v52 =	vmul.f32 v53, v62;
	v53 =	vld.idx.msk [tilespmem:v63+s17+$0x0], $0xffff  }
0x129: {  	v63 =	vor.u32 $0x1C, v50;
	v62 =	vld.idx.msk [tilespmem:v59+s16+$0x0], $0xffff  }
0x12a: {  	v1 =	vadd.f32 v51, v1;
	v51 =	vmul.f32 v38, v52;
	v52 =	vmul.f32 v54, v56;
	v54 =	vld.idx.msk [tilespmem:v59+s17+$0x0], $0xffff  }
0x12b: {  	v59 =	vor.u32 $0x1D, v50;
	v56 =	vld.idx.msk [tilespmem:v60+s16+$0x0], $0xffff  }
0x12c: {  	v1 =	vadd.f32 v51, v1;
	v51 =	vmul.f32 v39, v52;
	v52 =	vmul.f32 v55, v57;
	v55 =	vld.idx.msk [tilespmem:v60+s17+$0x0], $0xffff  }
0x12d: {  	v60 =	vor.u32 $0x1E, v50;
	v57 =	vld.idx.msk [tilespmem:v61+s16+$0x0], $0xffff  }
0x12e: {  	v1 =	vadd.f32 v51, v1;
	v51 =	vmul.f32 v40, v52;
	v52 =	vmul.f32 v53, v58;
	v53 =	vld.idx.msk [tilespmem:v61+s17+$0x0], $0xffff  }
0x12f: {  	v50 =	vor.u32 $0x1F, v50;
	v58 =	vld.idx.msk [tilespmem:v63+s16+$0x0], $0xffff  }
0x130: {  	v1 =	vadd.f32 v51, v1;
	v51 =	vmul.f32 v41, v52;
	v52 =	vmul.f32 v54, v62;
	v54 =	vld.idx.msk [tilespmem:v63+s17+$0x0], $0xffff  }
0x131: {  	v61 =	vld.idx.msk [tilespmem:v59+s16+$0x0], $0xffff  }
0x132: {  	v1 =	vadd.f32 v51, v1;
	v51 =	vmul.f32 v42, v52;
	v52 =	vmul.f32 v55, v56;
	v55 =	vld.idx.msk [tilespmem:v59+s17+$0x0], $0xffff  }
0x133: {  	v56 =	vld.idx.msk [tilespmem:v60+s16+$0x0], $0xffff  }
0x134: {  	v1 =	vadd.f32 v51, v1;
	v51 =	vmul.f32 v43, v52;
	v52 =	vmul.f32 v53, v57;
	v53 =	vld.idx.msk [tilespmem:v60+s17+$0x0], $0xffff  }
0x135: {  	v57 =	vld.idx.msk [tilespmem:v50+s16+$0x0], $0xffff  }
0x136: {  	v1 =	vadd.f32 v51, v1;
	v51 =	vmul.f32 v44, v52;
	v52 =	vmul.f32 v54, v58;
	v50 =	vld.idx.msk [tilespmem:v50+s17+$0x0], $0xffff;
	_ =	sdelay $0x1  }
0x137: {  	v1 =	vadd.f32 v51, v1;
	v51 =	vmul.f32 v45, v52;
	v52 =	vmul.f32 v55, v61;
	_ =	sdelay $0x1  }
0x138: {  	v1 =	vadd.f32 v51, v1;
	v51 =	vmul.f32 v46, v52;
	v52 =	vmul.f32 v53, v56;
	_ =	sdelay $0x1  }
0x139: {  	v1 =	vadd.f32 v51, v1;
	v51 =	vmul.f32 v47, v52;
	v50 =	vmul.f32 v50, v57;
	_ =	sdelay $0x1  }
0x13a: {  	v1 =	vadd.f32 v51, v1;
	v50 =	vmul.f32 v48, v50;
	_ =	sdelay $0x1  }
0x13b: {  	v1 =	vadd.f32 v50, v1;
	_ =	sdelay $0x1  }
0x13c: {  	v1 =	vadd.f32 v1, v49;
	_ =	sdelay $0x1  }
0x13d: {  	v1 =	vsub.f32 $0.0e+00, v1;
	_ =	sdelay $0x1  }
0x13e: {  	v1 =	vmul.f32 $1.442695020e+00, v1;
	_ =	sdelay $0x1  }
0x13f: {  	(erf) = vpow2.f32 v1;
	_ =	sdelay $0x8  }
0x140: {  	v1 =	vpop (erf)  }
0x141: {  	v1 =	vadd.f32 $1.000000000e+00, v1;
	_ =	sdelay $0x1  }
0x142: {  	(erf) = vrcp.f32 v1  }
.Ltmp0:
0x143: {  	(pc) =	sbr.rel @p0 .LBB2_2-.Ltmp0, $3  }
0x144: {  	_ =	sdelay $0x1  }
0x145: {  	v1 =	vmov s1  }
0x146: {  	s1 =	sadd.s32 $0x10, s1;
	v50 =	vshll.u32 v1, $0x5  }
0x147: {  	v50 =	vor.u32 v0, v50;
	_ =	sdelay $0x1  }
0x148: {  	v1 =	vor.u32 $0x1, v50  }
0x149: {  	s1 =	sadd.s32 $0x10, s3;
	v51 =	vpop (erf)  }
0x14a: {  	v52 =	vor.u32 $0x2, v50;
	[tilespmem:s1+$0x0] =	vst v51  }
0x14b: {  	v51 =	vld.idx.msk [tilespmem:v50+s17+$0x0], $0xffff  }
0x14c: {  	v54 =	vor.u32 $0x3, v50;
	v53 =	vld.idx.msk [tilespmem:v50+s16+$0x0], $0xffff  }
0x14d: {  	v55 =	vld.idx.msk [tilespmem:v1+s16+$0x0], $0xffff  }
0x14e: {  	v56 =	vor.u32 $0x4, v50;
	v1 =	vld.idx.msk [tilespmem:v1+s17+$0x0], $0xffff  }
0x14f: {  	v57 =	vld.idx.msk [tilespmem:v52+s16+$0x0], $0xffff  }
0x150: {  	v58 =	vor.u32 $0x5, v50;
	v52 =	vld.idx.msk [tilespmem:v52+s17+$0x0], $0xffff  }
0x151: {  	v59 =	vld.idx.msk [tilespmem:v54+s16+$0x0], $0xffff;
	v51 =	vmul.f32 v51, v53  }
0x152: {  	v53 =	vld.idx.msk [tilespmem:v54+s17+$0x0], $0xffff;
	v54 =	vor.u32 $0x6, v50  }
0x153: {  	v60 =	vld.idx.msk [tilespmem:v56+s16+$0x0], $0xffff;
	v1 =	vmul.f32 v1, v55;
	v21 =	vmul.f32 v21, v51  }
0x154: {  	v63 =	vor.u32 $0x7, v50;
	v51 =	vld.idx.msk [tilespmem:v56+s17+$0x0], $0xffff  }
0x155: {  	v56 =	vld.idx.msk [tilespmem:v58+s16+$0x0], $0xffff;
	v1 =	vmul.f32 v17, v1;
	v17 =	vmul.f32 v52, v57;
	v21 =	vadd.f32 $0.0e+00, v21  }
0x156: {  	v52 =	vor.u32 $0x8, v50;
	v57 =	vld.idx.msk [tilespmem:v58+s17+$0x0], $0xffff  }
0x157: {  	v61 =	vld.idx.msk [tilespmem:v54+s16+$0x0], $0xffff;
	v17 =	vmul.f32 v18, v17;
	v18 =	vmul.f32 v53, v59;
	v1 =	vadd.f32 v1, v21  }
0x158: {  	v62 =	vld.idx.msk [tilespmem:v54+s17+$0x0], $0xffff;
	v21 =	vor.u32 $0x9, v50  }
0x159: {  	v54 =	vld.idx.msk [tilespmem:v63+s16+$0x0], $0xffff;
	v1 =	vadd.f32 v17, v1;
	v17 =	vmul.f32 v19, v18;
	v18 =	vmul.f32 v51, v60  }
0x15a: {  	v63 =	vld.idx.msk [tilespmem:v63+s17+$0x0], $0xffff;
	v19 =	vor.u32 $0xA, v50  }
0x15b: {  	v55 =	vld.idx.msk [tilespmem:v52+s16+$0x0], $0xffff;
	v1 =	vadd.f32 v17, v1;
	v17 =	vmul.f32 v20, v18;
	v18 =	vmul.f32 v57, v56  }
0x15c: {  	v52 =	vld.idx.msk [tilespmem:v52+s17+$0x0], $0xffff;
	v20 =	vor.u32 $0xB, v50  }
0x15d: {  	v60 =	vld.idx.msk [tilespmem:v21+s16+$0x0], $0xffff;
	v1 =	vadd.f32 v17, v1;
	v17 =	vmul.f32 v22, v18;
	v18 =	vmul.f32 v62, v61  }
0x15e: {  	v21 =	vld.idx.msk [tilespmem:v21+s17+$0x0], $0xffff;
	v61 =	vor.u32 $0xC, v50  }
0x15f: {  	v62 =	vld.idx.msk [tilespmem:v19+s16+$0x0], $0xffff;
	v1 =	vadd.f32 v17, v1;
	v17 =	vmul.f32 v23, v18;
	v18 =	vmul.f32 v63, v54  }
0x160: {  	v19 =	vld.idx.msk [tilespmem:v19+s17+$0x0], $0xffff;
	v63 =	vor.u32 $0xD, v50  }
0x161: {  	v57 =	vld.idx.msk [tilespmem:v20+s16+$0x0], $0xffff;
	v1 =	vadd.f32 v17, v1;
	v17 =	vmul.f32 v24, v18;
	v18 =	vmul.f32 v52, v55  }
0x162: {  	v58 =	vor.u32 $0xE, v50;
	v20 =	vld.idx.msk [tilespmem:v20+s17+$0x0], $0xffff  }
0x163: {  	v59 =	vld.idx.msk [tilespmem:v61+s16+$0x0], $0xffff;
	v1 =	vadd.f32 v17, v1;
	v17 =	vmul.f32 v25, v18;
	v18 =	vmul.f32 v21, v60  }
0x164: {  	v22 =	vld.idx.msk [tilespmem:v61+s17+$0x0], $0xffff;
	v60 =	vor.u32 $0xF, v50  }
0x165: {  	v61 =	vld.idx.msk [tilespmem:v63+s16+$0x0], $0xffff;
	v1 =	vadd.f32 v17, v1;
	v17 =	vmul.f32 v26, v18;
	v18 =	vmul.f32 v19, v62  }
0x166: {  	v23 =	vld.idx.msk [tilespmem:v63+s17+$0x0], $0xffff;
	v19 =	vor.u32 $0x10, v50  }
0x167: {  	v24 =	vld.idx.msk [tilespmem:v58+s17+$0x0], $0xffff;
	v1 =	vadd.f32 v17, v1;
	v17 =	vmul.f32 v27, v18;
	v18 =	vmul.f32 v20, v57  }
0x168: {  	v63 =	vor.u32 $0x11, v50;
	v62 =	vld.idx.msk [tilespmem:v58+s16+$0x0], $0xffff  }
0x169: {  	v51 =	vld.idx.msk [tilespmem:v60+s16+$0x0], $0xffff;
	v1 =	vadd.f32 v17, v1;
	v17 =	vmul.f32 v28, v18;
	v18 =	vmul.f32 v22, v59  }
0x16a: {  	v53 =	vor.u32 $0x12, v50;
	v21 =	vld.idx.msk [tilespmem:v60+s17+$0x0], $0xffff  }
0x16b: {  	v54 =	vld.idx.msk [tilespmem:v19+s16+$0x0], $0xffff;
	v1 =	vadd.f32 v17, v1;
	v17 =	vmul.f32 v29, v18;
	v18 =	vmul.f32 v23, v61  }
0x16c: {  	v55 =	vor.u32 $0x13, v50;
	v19 =	vld.idx.msk [tilespmem:v19+s17+$0x0], $0xffff  }
0x16d: {  	v56 =	vld.idx.msk [tilespmem:v63+s16+$0x0], $0xffff;
	v1 =	vadd.f32 v17, v1;
	v17 =	vmul.f32 v30, v18;
	v18 =	vmul.f32 v24, v62  }
0x16e: {  	v57 =	vor.u32 $0x14, v50;
	v20 =	vld.idx.msk [tilespmem:v63+s17+$0x0], $0xffff  }
0x16f: {  	v58 =	vld.idx.msk [tilespmem:v53+s16+$0x0], $0xffff;
	v1 =	vadd.f32 v17, v1;
	v17 =	vmul.f32 v31, v18;
	v18 =	vmul.f32 v21, v51  }
0x170: {  	v59 =	vor.u32 $0x15, v50;
	v22 =	vld.idx.msk [tilespmem:v53+s17+$0x0], $0xffff  }
0x171: {  	v60 =	vld.idx.msk [tilespmem:v55+s16+$0x0], $0xffff;
	v1 =	vadd.f32 v17, v1;
	v17 =	vmul.f32 v32, v18;
	v18 =	vmul.f32 v19, v54  }
0x172: {  	v23 =	vld.idx.msk [tilespmem:v55+s17+$0x0], $0xffff;
	v19 =	vor.u32 $0x16, v50  }
0x173: {  	v61 =	vld.idx.msk [tilespmem:v57+s16+$0x0], $0xffff;
	v1 =	vadd.f32 v17, v1;
	v17 =	vmul.f32 v33, v18;
	v18 =	vmul.f32 v20, v56  }
0x174: {  	v62 =	vor.u32 $0x17, v50;
	v24 =	vld.idx.msk [tilespmem:v57+s17+$0x0], $0xffff  }
0x175: {  	v63 =	vld.idx.msk [tilespmem:v59+s16+$0x0], $0xffff;
	v1 =	vadd.f32 v17, v1;
	v17 =	vmul.f32 v34, v18;
	v18 =	vmul.f32 v22, v58  }
0x176: {  	v21 =	vld.idx.msk [tilespmem:v59+s17+$0x0], $0xffff;
	v32 =	vor.u32 $0x18, v50  }
0x177: {  	v33 =	vld.idx.msk [tilespmem:v19+s16+$0x0], $0xffff;
	v1 =	vadd.f32 v17, v1;
	v17 =	vmul.f32 v35, v18;
	v18 =	vmul.f32 v23, v60  }
0x178: {  	v34 =	vor.u32 $0x19, v50;
	v19 =	vld.idx.msk [tilespmem:v19+s17+$0x0], $0xffff  }
0x179: {  	v20 =	vld.idx.msk [tilespmem:v62+s17+$0x0], $0xffff;
	v1 =	vadd.f32 v17, v1;
	v17 =	vmul.f32 v36, v18;
	v18 =	vmul.f32 v24, v61  }
0x17a: {  	v35 =	vld.idx.msk [tilespmem:v62+s16+$0x0], $0xffff;
	v36 =	vor.u32 $0x1A, v50  }
0x17b: {  	v51 =	vld.idx.msk [tilespmem:v32+s16+$0x0], $0xffff;
	v1 =	vadd.f32 v17, v1;
	v17 =	vmul.f32 v37, v18;
	v18 =	vmul.f32 v21, v63  }
0x17c: {  	v52 =	vor.u32 $0x1B, v50;
	v22 =	vld.idx.msk [tilespmem:v32+s17+$0x0], $0xffff  }
0x17d: {  	v53 =	vld.idx.msk [tilespmem:v34+s16+$0x0], $0xffff;
	v1 =	vadd.f32 v17, v1;
	v17 =	vmul.f32 v38, v18;
	v18 =	vmul.f32 v19, v33  }
0x17e: {  	v23 =	vld.idx.msk [tilespmem:v34+s17+$0x0], $0xffff;
	v19 =	vor.u32 $0x1C, v50  }
0x17f: {  	v54 =	vld.idx.msk [tilespmem:v36+s16+$0x0], $0xffff;
	v1 =	vadd.f32 v17, v1;
	v17 =	vmul.f32 v39, v18;
	v18 =	vmul.f32 v20, v35  }
0x180: {  	v55 =	vor.u32 $0x1D, v50;
	v24 =	vld.idx.msk [tilespmem:v36+s17+$0x0], $0xffff  }
0x181: {  	v56 =	vld.idx.msk [tilespmem:v52+s16+$0x0], $0xffff;
	v1 =	vadd.f32 v17, v1;
	v17 =	vmul.f32 v40, v18;
	v18 =	vmul.f32 v22, v51  }
0x182: {  	v57 =	vor.u32 $0x1E, v50;
	v21 =	vld.idx.msk [tilespmem:v52+s17+$0x0], $0xffff  }
0x183: {  	v58 =	vld.idx.msk [tilespmem:v19+s16+$0x0], $0xffff;
	v1 =	vadd.f32 v17, v1;
	v17 =	vmul.f32 v41, v18;
	v18 =	vmul.f32 v23, v53  }
0x184: {  	v59 =	vor.u32 $0x1F, v50;
	v19 =	vld.idx.msk [tilespmem:v19+s17+$0x0], $0xffff  }
0x185: {  	v60 =	vld.idx.msk [tilespmem:v55+s16+$0x0], $0xffff;
	v1 =	vadd.f32 v17, v1;
	v17 =	vmul.f32 v42, v18;
	v18 =	vmul.f32 v24, v54  }
0x186: {  	v20 =	vld.idx.msk [tilespmem:v55+s17+$0x0], $0xffff  }
0x187: {  	v62 =	vld.idx.msk [tilespmem:v57+s17+$0x0], $0xffff;
	v1 =	vadd.f32 v17, v1;
	v17 =	vmul.f32 v43, v18;
	v18 =	vmul.f32 v21, v56  }
0x188: {  	v61 =	vld.idx.msk [tilespmem:v57+s16+$0x0], $0xffff  }
0x189: {  	v63 =	vld.idx.msk [tilespmem:v59+s16+$0x0], $0xffff;
	v1 =	vadd.f32 v17, v1;
	v17 =	vmul.f32 v44, v18;
	v18 =	vmul.f32 v19, v58  }
0x18a: {  	v19 =	vld.idx.msk [tilespmem:v59+s17+$0x0], $0xffff  }
0x18b: {  	v1 =	vadd.f32 v17, v1;
	v17 =	vmul.f32 v45, v18;
	v18 =	vmul.f32 v20, v60;
	_ =	sdelay $0x1  }
0x18c: {  	v1 =	vadd.f32 v17, v1;
	v17 =	vmul.f32 v46, v18;
	v18 =	vmul.f32 v62, v61;
	_ =	sdelay $0x1  }
0x18d: {  	v1 =	vadd.f32 v17, v1;
	v17 =	vmul.f32 v47, v18;
	v18 =	vmul.f32 v19, v63;
	_ =	sdelay $0x1  }
0x18e: {  	v1 =	vadd.f32 v17, v1;
	v17 =	vmul.f32 v48, v18;
	_ =	sdelay $0x1  }
0x18f: {  	v1 =	vadd.f32 v17, v1;
	_ =	sdelay $0x1  }
0x190: {  	v1 =	vadd.f32 v1, v49;
	_ =	sdelay $0x1  }
0x191: {  	v1 =	vsub.f32 $0.0e+00, v1;
	_ =	sdelay $0x1  }
0x192: {  	v1 =	vmul.f32 $1.442695020e+00, v1;
	_ =	sdelay $0x1  }
0x193: {  	(erf) = vpow2.f32 v1;
	_ =	sdelay $0x8  }
0x194: {  	v1 =	vpop (erf)  }
0x195: {  	v1 =	vadd.f32 $1.000000000e+00, v1;
	_ =	sdelay $0x1  }
0x196: {  	(erf) = vrcp.f32 v1;
	_ =	sdelay $0x7  }
0x197: {  	s0 =	sadd.s32 $0x1, s0  }
0x198: {  	p0 =	sne.s32 s0, s10;
	s1 =	sadd.s32 $0x10, s1;
	v1 =	vpop (erf)  }
.Ltmp1:
0x199: {  	[tilespmem:s1+$0x0] =	vst v1;
	(pc) =	sbr.rel @p0 .LBB2_1-.Ltmp1, $4  }
0x19a: {  	[hbm4b:s9+s2] =	stream.linear.scatter [tilespmem:s31], [sflag:$0x2], $0x200, $0x38;
	[tilespmem:$0x8630] =	vst v63  }
0x19b: {  	_ =	swait.ge [sflag:s11], $0x200  }
0x19c: {  	[sflag:s11] =	ssyncset.done $0x0  }
0x19d: {  	[sflag:s11] =	ssyncadd.s32 $0xFFFFFE00  }
0x19e: {  	_ =	sfence.sel $0x180000  }
0x19f: {  	[bflag:$0x0] =	sbarrier.arrive $0xFFFF  }
0x1a0: {  	_ =	strace $0x90000047  }
0x1a1: {  	s0 =	stileid.u32;
	[bflag:$0x2] =	sbarrier.arrive $0xFFFF  }
0x1a2: {  	p0 =	sne.s32 s0, $0x0;
	s0 =	rddreg [dreg:$0x5]  }
0x1a3: {  	s0 =	sadd.s32 @!p0 $0x100000, s0  }
0x1a4: {  	[sflag:s0] =	ssyncadd.tile.s32 @!p0 $0x1;
	_ =	shalt  }
.Lfunc_end2:
_tile_overlayer_lowered:
.L_overlay_start_2:
0x1a5: {  	(tag) =	ssettag $0x2  }
0x1a6: {  	s0 =	rddreg [dreg:$0x0];
	s2 =	stileid.u32  }
0x1a7: {  	s1 =	rddreg [dreg:$0x1];
	p0 =	sne.s32 s2, $0x0  }
0x1a8: {  	s3 =	rddreg [dreg:$0x2];
	[bflag:$0x3] =	sbarrier.arrive $0xFFFF;
	s2 =	simm.s32 @!p0 $0x1C02  }
0x1a9: {  	[timem:s3], [sflag:s2] =	dma.local @!p0 [hbm:s0], s1  }
0x1aa: {  	s0 =	simm.s32 @!p0 $0x2  }
0x1ab: {  	_ =	swait.ge @!p0 [sflag:s0], s1  }
0x1ac: {  	s1 =	ssub.s32 @!p0 $0x0, s1;
	[sflag:s0] =	ssyncset.done @!p0 $0x0  }
0x1ad: {  	[sflag:s0] =	ssyncadd.s32 @!p0 s1  }
0x1ae: {  	[bflag:$0x3] =	sbarrier.arrive $0xFFFF  }
0x1af: {  	_ =	shalt  }

</sc_bundles>
